<compile_context>
chip_gen: v7x
topology: tpu7x:2x2x1
jax: 0.10.2.dev20260603
libtpu: 0.0.44.dev20260713+nightly
codegen_flags: <defaults>
</compile_context>

<pallas_src>
import functools

import jax
import jax.numpy as jnp
from jax import lax
from jax.experimental import pallas as pl
from jax.experimental.pallas import tpu as pltpu
from jax.experimental.pallas import tpu_sc as plsc

B = 8
C = 3
H = 224
P = 4
HIDDEN = 256
D = 256
K = 1024
PD = C * P * P
HP = H // P
WP = 224 // P
N = B * HP * WP
NH = N // 2
COMMITMENT = 0.25
DATA_VAR = 1.0

TB_A = 1568
NB_A = NH // TB_A
RB_C = 28
TB_C = RB_C * WP
NR_C = HP // RB_C
NB_C = NH // TB_C

SC_NW = 32
SC_ROWS = NH // SC_NW


def _patchify(x):
    eye = jnp.eye(PD, dtype=x.dtype).reshape(PD, C, P, P)
    dn = lax.conv_dimension_numbers(x.shape, eye.shape, ("NCHW", "OIHW", "NHWC"))
    return lax.conv_general_dilated(x, eye, (P, P), "VALID", dimension_numbers=dn)


def _unpatchify(d):
    eye = jnp.eye(PD, dtype=d.dtype).reshape(C, P, P, PD).transpose(1, 2, 3, 0)
    eye = eye[::-1, ::-1]
    return lax.conv_transpose(d, eye, (P, P), "VALID",
                              dimension_numbers=("NHWC", "HWIO", "NCHW"))


def _enc_vq_body(p_ref, we_ref, be_ref, wp_ref, bp_ref, emb_ref,
                 z_ref, idx_ref, counts_ref):
    i = pl.program_id(0)
    h = jnp.maximum(jnp.dot(p_ref[...], we_ref[...]) + be_ref[...], 0.0)
    z = jnp.dot(h, wp_ref[...]) + bp_ref[...]
    z_ref[...] = z
    emb = emb_ref[...]
    z2 = z * z
    zsq = (jnp.sum(z2[:, :128], axis=1, keepdims=True)
           + jnp.sum(z2[:, 128:], axis=1, keepdims=True))
    esq = jnp.sum(emb * emb, axis=1)
    mm2 = lax.dot_general(2.0 * z, emb, (((1,), (1,)), ((), ())))
    dist = (zsq + esq) - mm2
    m = jnp.min(dist, axis=1, keepdims=True)
    ks = lax.broadcasted_iota(jnp.int32, dist.shape, 1)
    idx = jnp.min(jnp.where(dist == m, ks, K), axis=1).astype(jnp.int32)
    idx_ref[0, 0, :] = idx
    onehot = (idx[:, None] == lax.broadcasted_iota(jnp.int32, (TB_A, K), 1))
    part = jnp.sum(onehot.astype(jnp.float32), axis=0, keepdims=True)

    @pl.when(i == 0)
    def _():
        counts_ref[...] = jnp.zeros_like(counts_ref)

    counts_ref[...] += part


def _enc_vq(patches, W_enc, b_enc, W_pre, b_pre, emb, half):
    off = half * NB_A
    return pl.pallas_call(
        _enc_vq_body,
        grid=(NB_A,),
        in_specs=[
            pl.BlockSpec((TB_A, PD), lambda i: (i + off, 0)),
            pl.BlockSpec((PD, HIDDEN), lambda i: (0, 0)),
            pl.BlockSpec((1, HIDDEN), lambda i: (0, 0)),
            pl.BlockSpec((HIDDEN, D), lambda i: (0, 0)),
            pl.BlockSpec((1, D), lambda i: (0, 0)),
            pl.BlockSpec((K, D), lambda i: (0, 0)),
        ],
        out_specs=[
            pl.BlockSpec((TB_A, D), lambda i: (i, 0)),
            pl.BlockSpec((1, 1, TB_A), lambda i: (i, 0, 0)),
            pl.BlockSpec((1, K), lambda i: (0, 0)),
        ],
        out_shape=[
            jax.ShapeDtypeStruct((NH, D), jnp.float32),
            jax.ShapeDtypeStruct((NB_A, 1, TB_A), jnp.int32),
            jax.ShapeDtypeStruct((1, K), jnp.float32),
        ],
    )(patches, W_enc, b_enc, W_pre, b_pre, emb)


def _sc_gather_body(emb_hbm, idx_hbm, out_hbm, idx_v, rows_v, sem):
    c = lax.axis_index("c")
    s = lax.axis_index("s")
    base = (s * 2 + c) * SC_ROWS
    pltpu.sync_copy(idx_hbm.at[pl.ds(base, SC_ROWS)], idx_v)
    pltpu.async_copy(emb_hbm.at[idx_v], rows_v, sem).wait()
    pltpu.sync_copy(rows_v, out_hbm.at[pl.ds(base, SC_ROWS)])


@functools.cache
def _sc_gather_kernel():
    return pl.kernel(
        _sc_gather_body,
        out_type=jax.ShapeDtypeStruct((NH, D), jnp.float32),
        mesh=plsc.VectorSubcoreMesh(core_axis_name="c", subcore_axis_name="s"),
        scratch_types=[
            pltpu.VMEM((SC_ROWS,), jnp.int32),
            pltpu.VMEM((SC_ROWS, D), jnp.float32),
            pltpu.SemaphoreType.DMA,
        ],
    )


def _sc_gather(emb, idx):
    return _sc_gather_kernel()(emb, idx)


def _dec_loss_body(x_ref, z_ref, q_ref, wd_ref, bd_ref, c1_ref, c2_ref,
                   a1_ref, a2_ref,
                   qst_ref, xrec_ref, loss_ref, perp_ref, rec_ref, vq_ref,
                   acc_ref, *, final):
    i = pl.program_id(0) * NR_C + pl.program_id(1)
    z = z_ref[...]
    q = q_ref[...]
    qst = z + (q - z)
    qst_ref[...] = qst
    dec = jnp.dot(qst, wd_ref[...]) + bd_ref[...]
    xr = dec.reshape(RB_C, WP, C, P, P).transpose(2, 0, 3, 1, 4).reshape(C, RB_C * P, H)
    xrec_ref[...] = xr[None]

    @pl.when(i == 0)
    def _():
        acc_ref[0] = 0.0
        acc_ref[1] = 0.0

    acc_ref[0] += jnp.sum((q - z) ** 2)
    acc_ref[1] += jnp.sum((xr - x_ref[0]) ** 2)

    @pl.when(i == NB_C - 1)
    def _():
        vq_sum = acc_ref[0] + a1_ref[0, 0]
        rec_sum = acc_ref[1] + a2_ref[0, 0]
        if final:
            latent = vq_sum / (N * D)
            vq = latent + COMMITMENT * latent
            rec = rec_sum / (N * PD) / DATA_VAR
            p = (c1_ref[...] + c2_ref[...]) / N
            ent = jnp.sum(p * jnp.log(p + 1e-10))
            perp_ref[...] = jnp.exp(-ent).reshape(1, 1)
            vq_ref[...] = vq.reshape(1, 1)
            rec_ref[...] = rec.reshape(1, 1)
            loss_ref[...] = (rec + vq).reshape(1, 1)
        else:
            perp_ref[...] = jnp.zeros((1, 1), jnp.float32)
            vq_ref[...] = vq_sum.reshape(1, 1)
            rec_ref[...] = rec_sum.reshape(1, 1)
            loss_ref[...] = jnp.zeros((1, 1), jnp.float32)


def _dec_loss(x, z, q, W_dec, b_dec, c1, c2, a1, a2, half, final):
    boff = half * (B // 2)
    return pl.pallas_call(
        functools.partial(_dec_loss_body, final=final),
        grid=(B // 2, NR_C),
        in_specs=[
            pl.BlockSpec((1, C, RB_C * P, H), lambda b, r: (b + boff, 0, r, 0)),
            pl.BlockSpec((TB_C, D), lambda b, r: (b * NR_C + r, 0)),
            pl.BlockSpec((TB_C, D), lambda b, r: (b * NR_C + r, 0)),
            pl.BlockSpec((D, PD), lambda b, r: (0, 0)),
            pl.BlockSpec((1, PD), lambda b, r: (0, 0)),
            pl.BlockSpec((1, K), lambda b, r: (0, 0)),
            pl.BlockSpec((1, K), lambda b, r: (0, 0)),
            pl.BlockSpec((1, 1), lambda b, r: (0, 0)),
            pl.BlockSpec((1, 1), lambda b, r: (0, 0)),
        ],
        out_specs=[
            pl.BlockSpec((TB_C, D), lambda b, r: (b * NR_C + r, 0)),
            pl.BlockSpec((1, C, RB_C * P, H), lambda b, r: (b, 0, r, 0)),
            pl.BlockSpec((1, 1), lambda b, r: (0, 0)),
            pl.BlockSpec((1, 1), lambda b, r: (0, 0)),
            pl.BlockSpec((1, 1), lambda b, r: (0, 0)),
            pl.BlockSpec((1, 1), lambda b, r: (0, 0)),
        ],
        out_shape=[
            jax.ShapeDtypeStruct((NH, D), jnp.float32),
            jax.ShapeDtypeStruct((B // 2, C, H, H), jnp.float32),
            jax.ShapeDtypeStruct((1, 1), jnp.float32),
            jax.ShapeDtypeStruct((1, 1), jnp.float32),
            jax.ShapeDtypeStruct((1, 1), jnp.float32),
            jax.ShapeDtypeStruct((1, 1), jnp.float32),
        ],
        scratch_shapes=[pltpu.SMEM((2,), jnp.float32)],
    )(x, z, q, W_dec, b_dec, c1, c2, a1, a2)


def kernel(inputs, W_enc, b_enc, W_pre, b_pre, W_dec, b_dec, emb):
    patches = _patchify(inputs).reshape(N, PD)
    be = b_enc.reshape(1, HIDDEN)
    bp = b_pre.reshape(1, D)
    bd = b_dec.reshape(1, PD)
    zero = jnp.zeros((1, 1), jnp.float32)

    z1, idx31, counts1 = _enc_vq(patches, W_enc, be, W_pre, bp, emb, 0)
    q1 = _sc_gather(emb, idx31.reshape(NH))
    z2, idx32, counts2 = _enc_vq(patches, W_enc, be, W_pre, bp, emb, 1)
    q2 = _sc_gather(emb, idx32.reshape(NH))
    qst1, xr1, _, _, rsum1, vsum1 = _dec_loss(
        inputs, z1, q1, W_dec, bd, counts1, counts2, zero, zero, 0, False)
    qst2, xr2, loss, perp, rec, vq = _dec_loss(
        inputs, z2, q2, W_dec, bd, counts1, counts2, vsum1, rsum1, 1, True)

    x_rec = jnp.concatenate([xr1, xr2], axis=0)
    qst = jnp.concatenate([qst1, qst2], axis=0)
    return (loss.reshape(()), x_rec, qst.reshape(B, HP, WP, D),
            perp.reshape(()), rec.reshape(()), vq.reshape(()))

# --- scband reference (transcript-rebuilt; emitter-appended) ---
"""Pipeline reference for scband-vqvae-all-35828617183682 (READ-ONLY COPY).

The authoritative reference and input builder live on the scoring server;
editing this copy changes nothing except your own understanding.
"""

import jax, jax.numpy as jnp
import numpy as np

B, C, H, W = 8, 3, 224, 224
P = 4
HIDDEN = 256
D = 256
K = 1024
COMMITMENT = 0.25
DATA_VAR = 1.0


def setup_inputs(seed: int = 0) -> dict:
    key = jax.random.key(seed)
    ks = jax.random.split(key, 8)
    inputs = jax.random.normal(ks[0], (B, C, H, W), dtype=jnp.float32)
    W_enc = jax.random.normal(ks[1], (C * P * P, HIDDEN), dtype=jnp.float32) * 0.02
    b_enc = jnp.zeros((HIDDEN,), dtype=jnp.float32)
    W_pre = jax.random.normal(ks[2], (HIDDEN, D), dtype=jnp.float32) * 0.02
    b_pre = jnp.zeros((D,), dtype=jnp.float32)
    W_dec = jax.random.normal(ks[3], (D, C * P * P), dtype=jnp.float32) * 0.02
    b_dec = jnp.zeros((C * P * P,), dtype=jnp.float32)
    emb = jax.random.uniform(ks[4], (K, D), minval=-1.0 / K, maxval=1.0 / K, dtype=jnp.float32)
    return {"inputs": inputs, "W_enc": W_enc, "b_enc": b_enc, "W_pre": W_pre,
            "b_pre": b_pre, "W_dec": W_dec, "b_dec": b_dec, "emb": emb}


def _patchify(x):
    b, c, h, w = x.shape
    x = x.reshape(b, c, h // P, P, w // P, P)
    x = x.transpose(0, 2, 4, 1, 3, 5).reshape(b, h // P, w // P, c * P * P)
    return x


def _unpatchify(x):
    b, h, w, _ = x.shape
    x = x.reshape(b, h, w, C, P, P).transpose(0, 3, 1, 4, 2, 5).reshape(b, C, h * P, w * P)
    return x


def reference(inputs, W_enc, b_enc, W_pre, b_pre, W_dec, b_dec, emb):
    # encoder: stride-4 kernel-4 conv == patchify + matmul, then relu
    patches = _patchify(inputs)                       # [B, h, w, C*P*P]
    hfeat = jax.nn.relu(patches @ W_enc + b_enc)      # [B, h, w, HIDDEN]
    # pre_vq_conv1: 1x1 conv == matmul over channel dim (torch works NCHW then permutes to NHWC;
    # here we stay in NHWC throughout -- mathematically identical)
    z = hfeat @ W_pre + b_pre                         # [B, h, w, D]
    # --- quantize ---
    flat = z.reshape(-1, D)
    distance = (jnp.sum(flat ** 2, axis=1, keepdims=True)
                + jnp.sum(emb ** 2, axis=1)
                - 2.0 * flat @ emb.T)                 # [N, K]
    indices = jnp.argmin(distance, axis=1)            # [N]
    N = flat.shape[0]
    encodings = jnp.zeros((N, K), dtype=jnp.float32).at[jnp.arange(N), indices].set(1.0)
    quantized = (encodings @ emb).reshape(z.shape)    # [B, h, w, D]
    e_latent_loss = jnp.mean((jax.lax.stop_gradient(quantized) - z) ** 2)
    q_latent_loss = jnp.mean((quantized - jax.lax.stop_gradient(z)) ** 2)
    vq_loss = q_latent_loss + COMMITMENT * e_latent_loss
    quantized_st = z + jax.lax.stop_gradient(quantized - z)  # straight-through
    avg_probs = jnp.mean(encodings, axis=0)
    perplexity = jnp.exp(-jnp.sum(avg_probs * jnp.log(avg_probs + 1e-10)))
    # decoder: transpose of the patch conv
    x_reconstructed = _unpatchify(quantized_st @ W_dec + b_dec)  # [B, C, H, W]
    reconstructed_error = jnp.mean(jnp.square(x_reconstructed - inputs) / DATA_VAR)
    loss = reconstructed_error + vq_loss
    return (loss, x_reconstructed, quantized_st, perplexity, reconstructed_error, vq_loss)

if __name__ == "__main__":
    import jax
    _d = setup_inputs()
    print(jax.jit(kernel)(*tuple(_d.values())))

</pallas_src>

<mosaic_0001>
#map = affine_map<(d0, d1) -> (0, 0)>
#map1 = affine_map<(d0, d1) -> (0)>
module attributes {stable_mosaic.version = 14 : i64} {
  func.func @_sc_gather_body(%arg0: i32, %arg1: i32, %arg2: memref<1024x256xf32, #tpu.memory_space<hbm>>, %arg3: memref<12544xi32, #tpu.memory_space<hbm>>, %arg4: memref<12544x256xf32, #tpu.memory_space<hbm>>, %arg5: memref<392xi32, #tpu.memory_space<vmem>>, %arg6: memref<392x256xf32, #tpu.memory_space<vmem>>, %arg7: memref<!tpu.dma_semaphore, #tpu.memory_space<semaphore_mem>>) attributes {dimension_semantics = [#tpu.dimension_semantics<core_parallel>, #tpu.dimension_semantics<subcore_parallel>], iteration_bounds = array<i64: 2, 16>, scalar_prefetch = 0 : i64, scratch_operands = 3 : i64, tpu.core_type = #tpu.core_type<sc_vector_subcore>, window_params = [{transform_indices = #map}, {transform_indices = #map1}, {transform_indices = #map}]} {
    %mul3A = arith.constant 2 : i32
    %mul3A_0 = arith.muli %arg1, %mul3A : i32
    %add3A = arith.addi %mul3A_0, %arg0 : i32
    %mul3A_1 = arith.constant 392 : i32
    %mul3A_2 = arith.muli %add3A, %mul3A_1 : i32
    "tpu.region"() ({
      %run_scoped3A = tpu.sem_alloc : memref<!tpu.dma_semaphore, #tpu.memory_space<semaphore_mem>>
      %dma_start3A_7 = tpu.memref_slice %arg3[%mul3A_2] : memref<12544xi32, #tpu.memory_space<hbm>> -> memref<392xi32, #tpu.memory_space<hbm>>
      %dma_start3A_8 = tpu.memref_slice %arg3[%mul3A_2] : memref<12544xi32, #tpu.memory_space<hbm>> -> memref<392xi32, #tpu.memory_space<hbm>>
      tpu.enqueue_dma source(%dma_start3A_8 : memref<392xi32, #tpu.memory_space<hbm>>) target(%arg5 : memref<392xi32, #tpu.memory_space<vmem>>) target_semaphore(%run_scoped3A : memref<!tpu.dma_semaphore, #tpu.memory_space<semaphore_mem>>)
      %dma_wait3A_9 = tpu.memref_slice %arg3[%mul3A_2] : memref<12544xi32, #tpu.memory_space<hbm>> -> memref<392xi32, #tpu.memory_space<hbm>>
      %dma_wait3A_10 = tpu.memref_slice %arg3[%mul3A_2] : memref<12544xi32, #tpu.memory_space<hbm>> -> memref<392xi32, #tpu.memory_space<hbm>>
      tpu.wait_dma2 semaphore(%run_scoped3A : memref<!tpu.dma_semaphore, #tpu.memory_space<semaphore_mem>>) src(%dma_wait3A_10 : memref<392xi32, #tpu.memory_space<hbm>>) dst(%arg5 : memref<392xi32, #tpu.memory_space<vmem>>)
      tpu.yield
    }) : () -> ()
    %dma_start3A = arith.constant 0 : i32
    %dma_start3A_3 = arith.constant 0 : i32
    %dma_start3A_4 = tpu.memref_slice %arg2[%dma_start3A, %dma_start3A_3] : memref<1024x256xf32, #tpu.memory_space<hbm>> -> memref<1024x256xf32, #tpu.memory_space<hbm>>
    tpu.enqueue_indirect_dma source(%dma_start3A_4 : memref<1024x256xf32, #tpu.memory_space<hbm>>) target(%arg6 : memref<392x256xf32, #tpu.memory_space<vmem>>) offsets(%arg5 : memref<392xi32, #tpu.memory_space<vmem>>) semaphore(%arg7 : memref<!tpu.dma_semaphore, #tpu.memory_space<semaphore_mem>>)
    %dma_wait3A = arith.constant 0 : i32
    %dma_wait3A_5 = arith.constant 0 : i32
    %dma_wait3A_6 = tpu.memref_slice %arg2[%dma_wait3A, %dma_wait3A_5] : memref<1024x256xf32, #tpu.memory_space<hbm>> -> memref<1024x256xf32, #tpu.memory_space<hbm>>
    tpu.wait_indirect_dma semaphore(%arg7 : memref<!tpu.dma_semaphore, #tpu.memory_space<semaphore_mem>>) src(%dma_wait3A_6 : memref<1024x256xf32, #tpu.memory_space<hbm>>) dst(%arg6 : memref<392x256xf32, #tpu.memory_space<vmem>>)
    "tpu.region"() ({
      %run_scoped3A = tpu.sem_alloc : memref<!tpu.dma_semaphore, #tpu.memory_space<semaphore_mem>>
      %dma_start3A_7 = arith.constant 0 : i32
      %dma_start3A_8 = tpu.memref_slice %arg4[%mul3A_2, %dma_start3A_7] : memref<12544x256xf32, #tpu.memory_space<hbm>> -> memref<392x256xf32, #tpu.memory_space<hbm>>
      %dma_start3A_9 = arith.constant 0 : i32
      %dma_start3A_10 = tpu.memref_slice %arg4[%mul3A_2, %dma_start3A_9] : memref<12544x256xf32, #tpu.memory_space<hbm>> -> memref<392x256xf32, #tpu.memory_space<hbm>>
      tpu.enqueue_dma source(%arg6 : memref<392x256xf32, #tpu.memory_space<vmem>>) target(%dma_start3A_10 : memref<392x256xf32, #tpu.memory_space<hbm>>) target_semaphore(%run_scoped3A : memref<!tpu.dma_semaphore, #tpu.memory_space<semaphore_mem>>)
      %dma_wait3A_11 = arith.constant 0 : i32
      %dma_wait3A_12 = tpu.memref_slice %arg4[%mul3A_2, %dma_wait3A_11] : memref<12544x256xf32, #tpu.memory_space<hbm>> -> memref<392x256xf32, #tpu.memory_space<hbm>>
      %dma_wait3A_13 = arith.constant 0 : i32
      %dma_wait3A_14 = tpu.memref_slice %arg4[%mul3A_2, %dma_wait3A_13] : memref<12544x256xf32, #tpu.memory_space<hbm>> -> memref<392x256xf32, #tpu.memory_space<hbm>>
      tpu.wait_dma2 semaphore(%run_scoped3A : memref<!tpu.dma_semaphore, #tpu.memory_space<semaphore_mem>>) src(%arg6 : memref<392x256xf32, #tpu.memory_space<vmem>>) dst(%dma_wait3A_14 : memref<392x256xf32, #tpu.memory_space<hbm>>)
      tpu.yield
    }) : () -> ()
    return
  }
}

#map = affine_map<(d0, d1) -> (0, 0)>
#map1 = affine_map<(d0, d1) -> (0)>
module attributes {stable_mosaic.version = 14 : i64} {
  func.func @_sc_gather_body(%arg0: i32, %arg1: i32, %arg2: memref<1024x256xf32, #tpu.memory_space<hbm>>, %arg3: memref<12544xi32, #tpu.memory_space<hbm>>, %arg4: memref<12544x256xf32, #tpu.memory_space<hbm>>, %arg5: memref<392xi32, #tpu.memory_space<vmem>>, %arg6: memref<392x256xf32, #tpu.memory_space<vmem>>, %arg7: memref<!tpu.dma_semaphore, #tpu.memory_space<semaphore_mem>>) attributes {dimension_semantics = [#tpu.dimension_semantics<core_parallel>, #tpu.dimension_semantics<subcore_parallel>], iteration_bounds = array<i64: 2, 16>, scalar_prefetch = 0 : i64, scratch_operands = 3 : i64, tpu.core_type = #tpu.core_type<sc_vector_subcore>, window_params = [{transform_indices = #map}, {transform_indices = #map1}, {transform_indices = #map}]} {
    %mul3A = arith.constant 2 : i32
    %mul3A_0 = arith.muli %arg1, %mul3A : i32
    %add3A = arith.addi %mul3A_0, %arg0 : i32
    %mul3A_1 = arith.constant 392 : i32
    %mul3A_2 = arith.muli %add3A, %mul3A_1 : i32
    "tpu.region"() ({
      %run_scoped3A = tpu.sem_alloc : memref<!tpu.dma_semaphore, #tpu.memory_space<semaphore_mem>>
      %dma_start3A_7 = tpu.memref_slice %arg3[%mul3A_2] : memref<12544xi32, #tpu.memory_space<hbm>> -> memref<392xi32, #tpu.memory_space<hbm>>
      %dma_start3A_8 = tpu.memref_slice %arg3[%mul3A_2] : memref<12544xi32, #tpu.memory_space<hbm>> -> memref<392xi32, #tpu.memory_space<hbm>>
      tpu.enqueue_dma source(%dma_start3A_8 : memref<392xi32, #tpu.memory_space<hbm>>) target(%arg5 : memref<392xi32, #tpu.memory_space<vmem>>) target_semaphore(%run_scoped3A : memref<!tpu.dma_semaphore, #tpu.memory_space<semaphore_mem>>)
      %dma_wait3A_9 = tpu.memref_slice %arg3[%mul3A_2] : memref<12544xi32, #tpu.memory_space<hbm>> -> memref<392xi32, #tpu.memory_space<hbm>>
      %dma_wait3A_10 = tpu.memref_slice %arg3[%mul3A_2] : memref<12544xi32, #tpu.memory_space<hbm>> -> memref<392xi32, #tpu.memory_space<hbm>>
      tpu.wait_dma2 semaphore(%run_scoped3A : memref<!tpu.dma_semaphore, #tpu.memory_space<semaphore_mem>>) src(%dma_wait3A_10 : memref<392xi32, #tpu.memory_space<hbm>>) dst(%arg5 : memref<392xi32, #tpu.memory_space<vmem>>)
      tpu.yield
    }) : () -> ()
    %dma_start3A = arith.constant 0 : i32
    %dma_start3A_3 = arith.constant 0 : i32
    %dma_start3A_4 = tpu.memref_slice %arg2[%dma_start3A, %dma_start3A_3] : memref<1024x256xf32, #tpu.memory_space<hbm>> -> memref<1024x256xf32, #tpu.memory_space<hbm>>
    tpu.enqueue_indirect_dma source(%dma_start3A_4 : memref<1024x256xf32, #tpu.memory_space<hbm>>) target(%arg6 : memref<392x256xf32, #tpu.memory_space<vmem>>) offsets(%arg5 : memref<392xi32, #tpu.memory_space<vmem>>) semaphore(%arg7 : memref<!tpu.dma_semaphore, #tpu.memory_space<semaphore_mem>>)
    %dma_wait3A = arith.constant 0 : i32
    %dma_wait3A_5 = arith.constant 0 : i32
    %dma_wait3A_6 = tpu.memref_slice %arg2[%dma_wait3A, %dma_wait3A_5] : memref<1024x256xf32, #tpu.memory_space<hbm>> -> memref<1024x256xf32, #tpu.memory_space<hbm>>
    tpu.wait_indirect_dma semaphore(%arg7 : memref<!tpu.dma_semaphore, #tpu.memory_space<semaphore_mem>>) src(%dma_wait3A_6 : memref<1024x256xf32, #tpu.memory_space<hbm>>) dst(%arg6 : memref<392x256xf32, #tpu.memory_space<vmem>>)
    "tpu.region"() ({
      %run_scoped3A = tpu.sem_alloc : memref<!tpu.dma_semaphore, #tpu.memory_space<semaphore_mem>>
      %dma_start3A_7 = arith.constant 0 : i32
      %dma_start3A_8 = tpu.memref_slice %arg4[%mul3A_2, %dma_start3A_7] : memref<12544x256xf32, #tpu.memory_space<hbm>> -> memref<392x256xf32, #tpu.memory_space<hbm>>
      %dma_start3A_9 = arith.constant 0 : i32
      %dma_start3A_10 = tpu.memref_slice %arg4[%mul3A_2, %dma_start3A_9] : memref<12544x256xf32, #tpu.memory_space<hbm>> -> memref<392x256xf32, #tpu.memory_space<hbm>>
      tpu.enqueue_dma source(%arg6 : memref<392x256xf32, #tpu.memory_space<vmem>>) target(%dma_start3A_10 : memref<392x256xf32, #tpu.memory_space<hbm>>) target_semaphore(%run_scoped3A : memref<!tpu.dma_semaphore, #tpu.memory_space<semaphore_mem>>)
      %dma_wait3A_11 = arith.constant 0 : i32
      %dma_wait3A_12 = tpu.memref_slice %arg4[%mul3A_2, %dma_wait3A_11] : memref<12544x256xf32, #tpu.memory_space<hbm>> -> memref<392x256xf32, #tpu.memory_space<hbm>>
      %dma_wait3A_13 = arith.constant 0 : i32
      %dma_wait3A_14 = tpu.memref_slice %arg4[%mul3A_2, %dma_wait3A_13] : memref<12544x256xf32, #tpu.memory_space<hbm>> -> memref<392x256xf32, #tpu.memory_space<hbm>>
      tpu.wait_dma2 semaphore(%run_scoped3A : memref<!tpu.dma_semaphore, #tpu.memory_space<semaphore_mem>>) src(%arg6 : memref<392x256xf32, #tpu.memory_space<vmem>>) dst(%dma_wait3A_14 : memref<392x256xf32, #tpu.memory_space<hbm>>)
      tpu.yield
    }) : () -> ()
    return
  }
}

module attributes {stable_mosaic.version = 14 : i64} {
  func.func @_enc_vq_body(%arg0: i32, %arg1: memref<1568x48xf32, #tpu.memory_space<vmem>>, %arg2: memref<48x256xf32, #tpu.memory_space<vmem>>, %arg3: memref<1x256xf32, #tpu.memory_space<vmem>>, %arg4: memref<256x256xf32, #tpu.memory_space<vmem>>, %arg5: memref<1x256xf32, #tpu.memory_space<vmem>>, %arg6: memref<1024x256xf32, #tpu.memory_space<vmem>>, %arg7: memref<1568x256xf32, #tpu.memory_space<vmem>>, %arg8: memref<1x1x1568xi32, #tpu.memory_space<vmem>>, %arg9: memref<1x1024xf32, #tpu.memory_space<vmem>>) attributes {dimension_semantics = [#tpu.dimension_semantics<arbitrary>], iteration_bounds = array<i64: 8>, scalar_prefetch = 0 : i64, scratch_operands = 0 : i64, tpu.core_type = #tpu.core_type<tc>, window_params = [{transform_indices = @transform_0, window_bounds = array<i64: 1568, 48>}, {pipeline_mode = #tpu.pipeline_mode<synchronous>, transform_indices = @transform_1, window_bounds = array<i64: 48, 256>}, {pipeline_mode = #tpu.pipeline_mode<synchronous>, transform_indices = @transform_2, window_bounds = array<i64: 1, 256>}, {pipeline_mode = #tpu.pipeline_mode<synchronous>, transform_indices = @transform_3, window_bounds = array<i64: 256, 256>}, {pipeline_mode = #tpu.pipeline_mode<synchronous>, transform_indices = @transform_4, window_bounds = array<i64: 1, 256>}, {pipeline_mode = #tpu.pipeline_mode<synchronous>, transform_indices = @transform_5, window_bounds = array<i64: 1024, 256>}, {transform_indices = @transform_6, window_bounds = array<i64: 1568, 256>}, {transform_indices = @transform_7, window_bounds = array<i64: 1, 1, 1568>}, {pipeline_mode = #tpu.pipeline_mode<synchronous>, transform_indices = @transform_8, window_bounds = array<i64: 1, 1024>}]} {
    %get3A = arith.constant 0 : index
    %get3A_0 = arith.constant 0 : index
    %get3A_1 = vector.load %arg1[%get3A, %get3A_0] : memref<1568x48xf32, #tpu.memory_space<vmem>>, vector<1568x48xf32>
    %get3A_2 = arith.constant 0 : index
    %get3A_3 = arith.constant 0 : index
    %get3A_4 = vector.load %arg2[%get3A_2, %get3A_3] : memref<48x256xf32, #tpu.memory_space<vmem>>, vector<48x256xf32>
    %dot_general3A = arith.constant dense<0.000000e+00> : vector<1568x256xf32>
    %dot_general3A_5 = tpu.matmul %get3A_1, %get3A_4, %dot_general3A {dimension_numbers = #tpu.dot_dimension_numbers<[1], [0], [0], [1], [0, 0, 1, 1], [], []>, transpose_lhs_hint = false} : vector<1568x48xf32>, vector<48x256xf32>, vector<1568x256xf32> -> vector<1568x256xf32>
    %get3A_6 = arith.constant 0 : index
    %get3A_7 = arith.constant 0 : index
    %get3A_8 = vector.load %arg3[%get3A_6, %get3A_7] : memref<1x256xf32, #tpu.memory_space<vmem>>, vector<1x256xf32>
    %add3A = vector.broadcast %get3A_8 : vector<1x256xf32> to vector<1568x256xf32>
    %add3A_9 = arith.addf %dot_general3A_5, %add3A : vector<1568x256xf32>
    %max3A = arith.constant 0.000000e+00 : f32
    %max3A_10 = vector.broadcast %max3A : f32 to vector<1568x256xf32>
    %max3A_11 = arith.maximumf %add3A_9, %max3A_10 : vector<1568x256xf32>
    %get3A_12 = arith.constant 0 : index
    %get3A_13 = arith.constant 0 : index
    %get3A_14 = vector.load %arg4[%get3A_12, %get3A_13] : memref<256x256xf32, #tpu.memory_space<vmem>>, vector<256x256xf32>
    %dot_general3A_15 = arith.constant dense<0.000000e+00> : vector<1568x256xf32>
    %dot_general3A_16 = tpu.matmul %max3A_11, %get3A_14, %dot_general3A_15 {dimension_numbers = #tpu.dot_dimension_numbers<[1], [0], [0], [1], [0, 0, 1, 1], [], []>, transpose_lhs_hint = false} : vector<1568x256xf32>, vector<256x256xf32>, vector<1568x256xf32> -> vector<1568x256xf32>
    %get3A_17 = arith.constant 0 : index
    %get3A_18 = arith.constant 0 : index
    %get3A_19 = vector.load %arg5[%get3A_17, %get3A_18] : memref<1x256xf32, #tpu.memory_space<vmem>>, vector<1x256xf32>
    %add3A_20 = vector.broadcast %get3A_19 : vector<1x256xf32> to vector<1568x256xf32>
    %add3A_21 = arith.addf %dot_general3A_16, %add3A_20 : vector<1568x256xf32>
    %swap3A = arith.constant 0 : index
    %swap3A_22 = arith.constant 0 : index
    %swap3A_23 = vector.load %arg7[%swap3A, %swap3A_22] : memref<1568x256xf32, #tpu.memory_space<vmem>>, vector<1568x256xf32>
    tpu.vector_store %arg7[%swap3A, %swap3A_22], %add3A_21 {strides = array<i32>} : memref<1568x256xf32, #tpu.memory_space<vmem>>, vector<1568x256xf32>,
    %get3A_24 = arith.constant 0 : index
    %get3A_25 = arith.constant 0 : index
    %get3A_26 = vector.load %arg6[%get3A_24, %get3A_25] : memref<1024x256xf32, #tpu.memory_space<vmem>>, vector<1024x256xf32>
    %mul3A = arith.mulf %add3A_21, %add3A_21 : vector<1568x256xf32>
    %slice3A = vector.extract_strided_slice %mul3A {offsets = [0, 0], sizes = [1568, 128], strides = [1, 1]} : vector<1568x256xf32> to vector<1568x128xf32>
    %reduce_sum3A = arith.constant dense<0.000000e+00> : vector<1568xf32>
    %reduce_sum3A_27 = vector.multi_reduction <add>, %slice3A, %reduce_sum3A [1] : vector<1568x128xf32> to vector<1568xf32>
    %broadcast_in_dim3A = vector.shape_cast %reduce_sum3A_27 : vector<1568xf32> to vector<1568x1xf32>
    %slice3A_28 = vector.extract_strided_slice %mul3A {offsets = [0, 128], sizes = [1568, 128], strides = [1, 1]} : vector<1568x256xf32> to vector<1568x128xf32>
    %reduce_sum3A_29 = arith.constant dense<0.000000e+00> : vector<1568xf32>
    %reduce_sum3A_30 = vector.multi_reduction <add>, %slice3A_28, %reduce_sum3A_29 [1] : vector<1568x128xf32> to vector<1568xf32>
    %broadcast_in_dim3A_31 = vector.shape_cast %reduce_sum3A_30 : vector<1568xf32> to vector<1568x1xf32>
    %add3A_32 = arith.addf %broadcast_in_dim3A, %broadcast_in_dim3A_31 : vector<1568x1xf32>
    %mul3A_33 = arith.mulf %get3A_26, %get3A_26 : vector<1024x256xf32>
    %reduce_sum3A_34 = arith.constant dense<0.000000e+00> : vector<1024xf32>
    %reduce_sum3A_35 = vector.multi_reduction <add>, %mul3A_33, %reduce_sum3A_34 [1] : vector<1024x256xf32> to vector<1024xf32>
    %mul3A_36 = arith.constant 2.000000e+00 : f32
    %mul3A_37 = vector.broadcast %mul3A_36 : f32 to vector<1568x256xf32>
    %mul3A_38 = arith.mulf %mul3A_37, %add3A_21 : vector<1568x256xf32>
    %dot_general3A_39 = arith.constant dense<0.000000e+00> : vector<1568x1024xf32>
    %dot_general3A_40 = tpu.matmul %mul3A_38, %get3A_26, %dot_general3A_39 {dimension_numbers = #tpu.dot_dimension_numbers<[1], [1], [0], [0], [0, 0, 1, 0], [], []>, transpose_lhs_hint = false} : vector<1568x256xf32>, vector<1024x256xf32>, vector<1568x1024xf32> -> vector<1568x1024xf32>
    %broadcast_in_dim3A_41 = vector.shape_cast %reduce_sum3A_35 : vector<1024xf32> to vector<1x1024xf32>
    %add3A_42 = vector.broadcast %add3A_32 : vector<1568x1xf32> to vector<1568x1024xf32>
    %add3A_43 = vector.broadcast %broadcast_in_dim3A_41 : vector<1x1024xf32> to vector<1568x1024xf32>
    %add3A_44 = arith.addf %add3A_42, %add3A_43 : vector<1568x1024xf32>
    %sub3A = arith.subf %add3A_44, %dot_general3A_40 : vector<1568x1024xf32>
    %reduce_min3A = arith.constant dense<0x7F800000> : vector<1568xf32>
    %reduce_min3A_45 = vector.multi_reduction <minimumf>, %sub3A, %reduce_min3A [1] : vector<1568x1024xf32> to vector<1568xf32>
    %broadcast_in_dim3A_46 = vector.shape_cast %reduce_min3A_45 : vector<1568xf32> to vector<1568x1xf32>
    %iota3A = tpu.iota {dimensions = array<i32: 1>} : vector<1568x1024xi32>
    %eq3A = vector.broadcast %broadcast_in_dim3A_46 : vector<1568x1xf32> to vector<1568x1024xf32>
    %eq3A_47 = arith.cmpf oeq, %sub3A, %eq3A : vector<1568x1024xf32>
    %jit3A = arith.constant 1024 : i32
    %broadcast_in_dim3A_48 = vector.broadcast %jit3A : i32 to vector<1568x1024xi32>
    %select_n3A = arith.select %eq3A_47, %iota3A, %broadcast_in_dim3A_48 : vector<1568x1024xi1>, vector<1568x1024xi32>
    %reduce_min3A_49 = arith.constant dense<2147483647> : vector<1568xi32>
    %reduce_min3A_50 = vector.multi_reduction <minsi>, %select_n3A, %reduce_min3A_49 [1] : vector<1568x1024xi32> to vector<1568xi32>
    %swap3A_51 = arith.constant 0 : index
    %swap3A_52 = arith.constant 0 : index
    %swap3A_53 = arith.constant 0 : index
    %swap3A_54 = vector.load %arg8[%swap3A_51, %swap3A_52, %swap3A_53] : memref<1x1x1568xi32, #tpu.memory_space<vmem>>, vector<1x1x1568xi32>
    %swap3A_55 = vector.shape_cast %swap3A_54 : vector<1x1x1568xi32> to vector<1568xi32>
    %swap3A_56 = vector.shape_cast %reduce_min3A_50 : vector<1568xi32> to vector<1x1x1568xi32>
    tpu.vector_store %arg8[%swap3A_51, %swap3A_52, %swap3A_53], %swap3A_56 {strides = array<i32>} : memref<1x1x1568xi32, #tpu.memory_space<vmem>>, vector<1x1x1568xi32>,
    %broadcast_in_dim3A_57 = vector.shape_cast %reduce_min3A_50 : vector<1568xi32> to vector<1568x1xi32>
    %iota3A_58 = tpu.iota {dimensions = array<i32: 1>} : vector<1568x1024xi32>
    %eq3A_59 = vector.broadcast %broadcast_in_dim3A_57 : vector<1568x1xi32> to vector<1568x1024xi32>
    %eq3A_60 = arith.cmpi eq, %eq3A_59, %iota3A_58 : vector<1568x1024xi32>
    %convert_element_type3A = arith.extui %eq3A_60 : vector<1568x1024xi1> to vector<1568x1024xi32>
    %convert_element_type3A_61 = arith.sitofp %convert_element_type3A : vector<1568x1024xi32> to vector<1568x1024xf32>
    %reduce_sum3A_62 = arith.constant dense<0.000000e+00> : vector<1024xf32>
    %reduce_sum3A_63 = vector.multi_reduction <add>, %convert_element_type3A_61, %reduce_sum3A_62 [0] : vector<1568x1024xf32> to vector<1024xf32>
    %broadcast_in_dim3A_64 = vector.shape_cast %reduce_sum3A_63 : vector<1024xf32> to vector<1x1024xf32>
    %eq3A_65 = arith.constant 0 : i32
    %eq3A_66 = arith.cmpi eq, %arg0, %eq3A_65 : i32
    %convert_element_type3A_67 = arith.extui %eq3A_66 : i1 to i32
    %cond3A = arith.constant 0 : i32
    %cond3A_68 = arith.cmpi ne, %convert_element_type3A_67, %cond3A : i32
    scf.if %cond3A_68 {
      %broadcast_in_dim3A_76 = arith.constant 0.000000e+00 : f32
      %broadcast_in_dim3A_77 = vector.broadcast %broadcast_in_dim3A_76 : f32 to vector<1x1024xf32>
      %swap3A_78 = arith.constant 0 : index
      %swap3A_79 = arith.constant 0 : index
      %swap3A_80 = vector.load %arg9[%swap3A_78, %swap3A_79] : memref<1x1024xf32, #tpu.memory_space<vmem>>, vector<1x1024xf32>
      tpu.vector_store %arg9[%swap3A_78, %swap3A_79], %broadcast_in_dim3A_77 {strides = array<i32>} : memref<1x1024xf32, #tpu.memory_space<vmem>>, vector<1x1024xf32>,
    } else {
    }
    %get3A_69 = arith.constant 0 : index
    %get3A_70 = arith.constant 0 : index
    %get3A_71 = vector.load %arg9[%get3A_69, %get3A_70] : memref<1x1024xf32, #tpu.memory_space<vmem>>, vector<1x1024xf32>
    %add3A_72 = arith.addf %get3A_71, %broadcast_in_dim3A_64 : vector<1x1024xf32>
    %swap3A_73 = arith.constant 0 : index
    %swap3A_74 = arith.constant 0 : index
    %swap3A_75 = vector.load %arg9[%swap3A_73, %swap3A_74] : memref<1x1024xf32, #tpu.memory_space<vmem>>, vector<1x1024xf32>
    tpu.vector_store %arg9[%swap3A_73, %swap3A_74], %add3A_72 {strides = array<i32>} : memref<1x1024xf32, #tpu.memory_space<vmem>>, vector<1x1024xf32>,
    return
  }
  func.func @transform_0(%arg0: i32) -> (i32, i32) {
    %add3A = arith.constant 0 : i32
    %add3A_0 = arith.addi %arg0, %add3A : i32
    %c0_i32 = arith.constant 0 : i32
    %c0_i32_1 = arith.constant 0 : i32
    return %add3A_0, %c0_i32 : i32, i32
  }
  func.func @transform_1(%arg0: i32) -> (i32, i32) {
    %c0_i32 = arith.constant 0 : i32
    %c0_i32_0 = arith.constant 0 : i32
    %c0_i32_1 = arith.constant 0 : i32
    return %c0_i32, %c0_i32_0 : i32, i32
  }
  func.func @transform_2(%arg0: i32) -> (i32, i32) {
    %c0_i32 = arith.constant 0 : i32
    %c0_i32_0 = arith.constant 0 : i32
    %c0_i32_1 = arith.constant 0 : i32
    return %c0_i32, %c0_i32_0 : i32, i32
  }
  func.func @transform_3(%arg0: i32) -> (i32, i32) {
    %c0_i32 = arith.constant 0 : i32
    %c0_i32_0 = arith.constant 0 : i32
    %c0_i32_1 = arith.constant 0 : i32
    return %c0_i32, %c0_i32_0 : i32, i32
  }
  func.func @transform_4(%arg0: i32) -> (i32, i32) {
    %c0_i32 = arith.constant 0 : i32
    %c0_i32_0 = arith.constant 0 : i32
    %c0_i32_1 = arith.constant 0 : i32
    return %c0_i32, %c0_i32_0 : i32, i32
  }
  func.func @transform_5(%arg0: i32) -> (i32, i32) {
    %c0_i32 = arith.constant 0 : i32
    %c0_i32_0 = arith.constant 0 : i32
    %c0_i32_1 = arith.constant 0 : i32
    return %c0_i32, %c0_i32_0 : i32, i32
  }
  func.func @transform_6(%arg0: i32) -> (i32, i32) {
    %c0_i32 = arith.constant 0 : i32
    %c0_i32_0 = arith.constant 0 : i32
    return %arg0, %c0_i32 : i32, i32
  }
  func.func @transform_7(%arg0: i32) -> (i32, i32, i32) {
    %c0_i32 = arith.constant 0 : i32
    %c0_i32_0 = arith.constant 0 : i32
    %c0_i32_1 = arith.constant 0 : i32
    return %arg0, %c0_i32, %c0_i32_0 : i32, i32, i32
  }
  func.func @transform_8(%arg0: i32) -> (i32, i32) {
    %c0_i32 = arith.constant 0 : i32
    %c0_i32_0 = arith.constant 0 : i32
    %c0_i32_1 = arith.constant 0 : i32
    return %c0_i32, %c0_i32_0 : i32, i32
  }
}

module attributes {stable_mosaic.version = 14 : i64} {
  func.func @_enc_vq_body(%arg0: i32, %arg1: memref<1568x48xf32, #tpu.memory_space<vmem>>, %arg2: memref<48x256xf32, #tpu.memory_space<vmem>>, %arg3: memref<1x256xf32, #tpu.memory_space<vmem>>, %arg4: memref<256x256xf32, #tpu.memory_space<vmem>>, %arg5: memref<1x256xf32, #tpu.memory_space<vmem>>, %arg6: memref<1024x256xf32, #tpu.memory_space<vmem>>, %arg7: memref<1568x256xf32, #tpu.memory_space<vmem>>, %arg8: memref<1x1x1568xi32, #tpu.memory_space<vmem>>, %arg9: memref<1x1024xf32, #tpu.memory_space<vmem>>) attributes {dimension_semantics = [#tpu.dimension_semantics<arbitrary>], iteration_bounds = array<i64: 8>, scalar_prefetch = 0 : i64, scratch_operands = 0 : i64, tpu.core_type = #tpu.core_type<tc>, window_params = [{transform_indices = @transform_0, window_bounds = array<i64: 1568, 48>}, {pipeline_mode = #tpu.pipeline_mode<synchronous>, transform_indices = @transform_1, window_bounds = array<i64: 48, 256>}, {pipeline_mode = #tpu.pipeline_mode<synchronous>, transform_indices = @transform_2, window_bounds = array<i64: 1, 256>}, {pipeline_mode = #tpu.pipeline_mode<synchronous>, transform_indices = @transform_3, window_bounds = array<i64: 256, 256>}, {pipeline_mode = #tpu.pipeline_mode<synchronous>, transform_indices = @transform_4, window_bounds = array<i64: 1, 256>}, {pipeline_mode = #tpu.pipeline_mode<synchronous>, transform_indices = @transform_5, window_bounds = array<i64: 1024, 256>}, {transform_indices = @transform_6, window_bounds = array<i64: 1568, 256>}, {transform_indices = @transform_7, window_bounds = array<i64: 1, 1, 1568>}, {pipeline_mode = #tpu.pipeline_mode<synchronous>, transform_indices = @transform_8, window_bounds = array<i64: 1, 1024>}]} {
    %get3A = arith.constant 0 : index
    %get3A_0 = arith.constant 0 : index
    %get3A_1 = vector.load %arg1[%get3A, %get3A_0] : memref<1568x48xf32, #tpu.memory_space<vmem>>, vector<1568x48xf32>
    %get3A_2 = arith.constant 0 : index
    %get3A_3 = arith.constant 0 : index
    %get3A_4 = vector.load %arg2[%get3A_2, %get3A_3] : memref<48x256xf32, #tpu.memory_space<vmem>>, vector<48x256xf32>
    %dot_general3A = arith.constant dense<0.000000e+00> : vector<1568x256xf32>
    %dot_general3A_5 = tpu.matmul %get3A_1, %get3A_4, %dot_general3A {dimension_numbers = #tpu.dot_dimension_numbers<[1], [0], [0], [1], [0, 0, 1, 1], [], []>, transpose_lhs_hint = false} : vector<1568x48xf32>, vector<48x256xf32>, vector<1568x256xf32> -> vector<1568x256xf32>
    %get3A_6 = arith.constant 0 : index
    %get3A_7 = arith.constant 0 : index
    %get3A_8 = vector.load %arg3[%get3A_6, %get3A_7] : memref<1x256xf32, #tpu.memory_space<vmem>>, vector<1x256xf32>
    %add3A = vector.broadcast %get3A_8 : vector<1x256xf32> to vector<1568x256xf32>
    %add3A_9 = arith.addf %dot_general3A_5, %add3A : vector<1568x256xf32>
    %max3A = arith.constant 0.000000e+00 : f32
    %max3A_10 = vector.broadcast %max3A : f32 to vector<1568x256xf32>
    %max3A_11 = arith.maximumf %add3A_9, %max3A_10 : vector<1568x256xf32>
    %get3A_12 = arith.constant 0 : index
    %get3A_13 = arith.constant 0 : index
    %get3A_14 = vector.load %arg4[%get3A_12, %get3A_13] : memref<256x256xf32, #tpu.memory_space<vmem>>, vector<256x256xf32>
    %dot_general3A_15 = arith.constant dense<0.000000e+00> : vector<1568x256xf32>
    %dot_general3A_16 = tpu.matmul %max3A_11, %get3A_14, %dot_general3A_15 {dimension_numbers = #tpu.dot_dimension_numbers<[1], [0], [0], [1], [0, 0, 1, 1], [], []>, transpose_lhs_hint = false} : vector<1568x256xf32>, vector<256x256xf32>, vector<1568x256xf32> -> vector<1568x256xf32>
    %get3A_17 = arith.constant 0 : index
    %get3A_18 = arith.constant 0 : index
    %get3A_19 = vector.load %arg5[%get3A_17, %get3A_18] : memref<1x256xf32, #tpu.memory_space<vmem>>, vector<1x256xf32>
    %add3A_20 = vector.broadcast %get3A_19 : vector<1x256xf32> to vector<1568x256xf32>
    %add3A_21 = arith.addf %dot_general3A_16, %add3A_20 : vector<1568x256xf32>
    %swap3A = arith.constant 0 : index
    %swap3A_22 = arith.constant 0 : index
    %swap3A_23 = vector.load %arg7[%swap3A, %swap3A_22] : memref<1568x256xf32, #tpu.memory_space<vmem>>, vector<1568x256xf32>
    tpu.vector_store %arg7[%swap3A, %swap3A_22], %add3A_21 {strides = array<i32>} : memref<1568x256xf32, #tpu.memory_space<vmem>>, vector<1568x256xf32>,
    %get3A_24 = arith.constant 0 : index
    %get3A_25 = arith.constant 0 : index
    %get3A_26 = vector.load %arg6[%get3A_24, %get3A_25] : memref<1024x256xf32, #tpu.memory_space<vmem>>, vector<1024x256xf32>
    %mul3A = arith.mulf %add3A_21, %add3A_21 : vector<1568x256xf32>
    %slice3A = vector.extract_strided_slice %mul3A {offsets = [0, 0], sizes = [1568, 128], strides = [1, 1]} : vector<1568x256xf32> to vector<1568x128xf32>
    %reduce_sum3A = arith.constant dense<0.000000e+00> : vector<1568xf32>
    %reduce_sum3A_27 = vector.multi_reduction <add>, %slice3A, %reduce_sum3A [1] : vector<1568x128xf32> to vector<1568xf32>
    %broadcast_in_dim3A = vector.shape_cast %reduce_sum3A_27 : vector<1568xf32> to vector<1568x1xf32>
    %slice3A_28 = vector.extract_strided_slice %mul3A {offsets = [0, 128], sizes = [1568, 128], strides = [1, 1]} : vector<1568x256xf32> to vector<1568x128xf32>
    %reduce_sum3A_29 = arith.constant dense<0.000000e+00> : vector<1568xf32>
    %reduce_sum3A_30 = vector.multi_reduction <add>, %slice3A_28, %reduce_sum3A_29 [1] : vector<1568x128xf32> to vector<1568xf32>
    %broadcast_in_dim3A_31 = vector.shape_cast %reduce_sum3A_30 : vector<1568xf32> to vector<1568x1xf32>
    %add3A_32 = arith.addf %broadcast_in_dim3A, %broadcast_in_dim3A_31 : vector<1568x1xf32>
    %mul3A_33 = arith.mulf %get3A_26, %get3A_26 : vector<1024x256xf32>
    %reduce_sum3A_34 = arith.constant dense<0.000000e+00> : vector<1024xf32>
    %reduce_sum3A_35 = vector.multi_reduction <add>, %mul3A_33, %reduce_sum3A_34 [1] : vector<1024x256xf32> to vector<1024xf32>
    %mul3A_36 = arith.constant 2.000000e+00 : f32
    %mul3A_37 = vector.broadcast %mul3A_36 : f32 to vector<1568x256xf32>
    %mul3A_38 = arith.mulf %mul3A_37, %add3A_21 : vector<1568x256xf32>
    %dot_general3A_39 = arith.constant dense<0.000000e+00> : vector<1568x1024xf32>
    %dot_general3A_40 = tpu.matmul %mul3A_38, %get3A_26, %dot_general3A_39 {dimension_numbers = #tpu.dot_dimension_numbers<[1], [1], [0], [0], [0, 0, 1, 0], [], []>, transpose_lhs_hint = false} : vector<1568x256xf32>, vector<1024x256xf32>, vector<1568x1024xf32> -> vector<1568x1024xf32>
    %broadcast_in_dim3A_41 = vector.shape_cast %reduce_sum3A_35 : vector<1024xf32> to vector<1x1024xf32>
    %add3A_42 = vector.broadcast %add3A_32 : vector<1568x1xf32> to vector<1568x1024xf32>
    %add3A_43 = vector.broadcast %broadcast_in_dim3A_41 : vector<1x1024xf32> to vector<1568x1024xf32>
    %add3A_44 = arith.addf %add3A_42, %add3A_43 : vector<1568x1024xf32>
    %sub3A = arith.subf %add3A_44, %dot_general3A_40 : vector<1568x1024xf32>
    %reduce_min3A = arith.constant dense<0x7F800000> : vector<1568xf32>
    %reduce_min3A_45 = vector.multi_reduction <minimumf>, %sub3A, %reduce_min3A [1] : vector<1568x1024xf32> to vector<1568xf32>
    %broadcast_in_dim3A_46 = vector.shape_cast %reduce_min3A_45 : vector<1568xf32> to vector<1568x1xf32>
    %iota3A = tpu.iota {dimensions = array<i32: 1>} : vector<1568x1024xi32>
    %eq3A = vector.broadcast %broadcast_in_dim3A_46 : vector<1568x1xf32> to vector<1568x1024xf32>
    %eq3A_47 = arith.cmpf oeq, %sub3A, %eq3A : vector<1568x1024xf32>
    %jit3A = arith.constant 1024 : i32
    %broadcast_in_dim3A_48 = vector.broadcast %jit3A : i32 to vector<1568x1024xi32>
    %select_n3A = arith.select %eq3A_47, %iota3A, %broadcast_in_dim3A_48 : vector<1568x1024xi1>, vector<1568x1024xi32>
    %reduce_min3A_49 = arith.constant dense<2147483647> : vector<1568xi32>
    %reduce_min3A_50 = vector.multi_reduction <minsi>, %select_n3A, %reduce_min3A_49 [1] : vector<1568x1024xi32> to vector<1568xi32>
    %swap3A_51 = arith.constant 0 : index
    %swap3A_52 = arith.constant 0 : index
    %swap3A_53 = arith.constant 0 : index
    %swap3A_54 = vector.load %arg8[%swap3A_51, %swap3A_52, %swap3A_53] : memref<1x1x1568xi32, #tpu.memory_space<vmem>>, vector<1x1x1568xi32>
    %swap3A_55 = vector.shape_cast %swap3A_54 : vector<1x1x1568xi32> to vector<1568xi32>
    %swap3A_56 = vector.shape_cast %reduce_min3A_50 : vector<1568xi32> to vector<1x1x1568xi32>
    tpu.vector_store %arg8[%swap3A_51, %swap3A_52, %swap3A_53], %swap3A_56 {strides = array<i32>} : memref<1x1x1568xi32, #tpu.memory_space<vmem>>, vector<1x1x1568xi32>,
    %broadcast_in_dim3A_57 = vector.shape_cast %reduce_min3A_50 : vector<1568xi32> to vector<1568x1xi32>
    %iota3A_58 = tpu.iota {dimensions = array<i32: 1>} : vector<1568x1024xi32>
    %eq3A_59 = vector.broadcast %broadcast_in_dim3A_57 : vector<1568x1xi32> to vector<1568x1024xi32>
    %eq3A_60 = arith.cmpi eq, %eq3A_59, %iota3A_58 : vector<1568x1024xi32>
    %convert_element_type3A = arith.extui %eq3A_60 : vector<1568x1024xi1> to vector<1568x1024xi32>
    %convert_element_type3A_61 = arith.sitofp %convert_element_type3A : vector<1568x1024xi32> to vector<1568x1024xf32>
    %reduce_sum3A_62 = arith.constant dense<0.000000e+00> : vector<1024xf32>
    %reduce_sum3A_63 = vector.multi_reduction <add>, %convert_element_type3A_61, %reduce_sum3A_62 [0] : vector<1568x1024xf32> to vector<1024xf32>
    %broadcast_in_dim3A_64 = vector.shape_cast %reduce_sum3A_63 : vector<1024xf32> to vector<1x1024xf32>
    %eq3A_65 = arith.constant 0 : i32
    %eq3A_66 = arith.cmpi eq, %arg0, %eq3A_65 : i32
    %convert_element_type3A_67 = arith.extui %eq3A_66 : i1 to i32
    %cond3A = arith.constant 0 : i32
    %cond3A_68 = arith.cmpi ne, %convert_element_type3A_67, %cond3A : i32
    scf.if %cond3A_68 {
      %broadcast_in_dim3A_76 = arith.constant 0.000000e+00 : f32
      %broadcast_in_dim3A_77 = vector.broadcast %broadcast_in_dim3A_76 : f32 to vector<1x1024xf32>
      %swap3A_78 = arith.constant 0 : index
      %swap3A_79 = arith.constant 0 : index
      %swap3A_80 = vector.load %arg9[%swap3A_78, %swap3A_79] : memref<1x1024xf32, #tpu.memory_space<vmem>>, vector<1x1024xf32>
      tpu.vector_store %arg9[%swap3A_78, %swap3A_79], %broadcast_in_dim3A_77 {strides = array<i32>} : memref<1x1024xf32, #tpu.memory_space<vmem>>, vector<1x1024xf32>,
    } else {
    }
    %get3A_69 = arith.constant 0 : index
    %get3A_70 = arith.constant 0 : index
    %get3A_71 = vector.load %arg9[%get3A_69, %get3A_70] : memref<1x1024xf32, #tpu.memory_space<vmem>>, vector<1x1024xf32>
    %add3A_72 = arith.addf %get3A_71, %broadcast_in_dim3A_64 : vector<1x1024xf32>
    %swap3A_73 = arith.constant 0 : index
    %swap3A_74 = arith.constant 0 : index
    %swap3A_75 = vector.load %arg9[%swap3A_73, %swap3A_74] : memref<1x1024xf32, #tpu.memory_space<vmem>>, vector<1x1024xf32>
    tpu.vector_store %arg9[%swap3A_73, %swap3A_74], %add3A_72 {strides = array<i32>} : memref<1x1024xf32, #tpu.memory_space<vmem>>, vector<1x1024xf32>,
    return
  }
  func.func @transform_0(%arg0: i32) -> (i32, i32) {
    %add3A = arith.constant 8 : i32
    %add3A_0 = arith.addi %arg0, %add3A : i32
    %c0_i32 = arith.constant 0 : i32
    %c0_i32_1 = arith.constant 0 : i32
    return %add3A_0, %c0_i32 : i32, i32
  }
  func.func @transform_1(%arg0: i32) -> (i32, i32) {
    %c0_i32 = arith.constant 0 : i32
    %c0_i32_0 = arith.constant 0 : i32
    %c0_i32_1 = arith.constant 0 : i32
    return %c0_i32, %c0_i32_0 : i32, i32
  }
  func.func @transform_2(%arg0: i32) -> (i32, i32) {
    %c0_i32 = arith.constant 0 : i32
    %c0_i32_0 = arith.constant 0 : i32
    %c0_i32_1 = arith.constant 0 : i32
    return %c0_i32, %c0_i32_0 : i32, i32
  }
  func.func @transform_3(%arg0: i32) -> (i32, i32) {
    %c0_i32 = arith.constant 0 : i32
    %c0_i32_0 = arith.constant 0 : i32
    %c0_i32_1 = arith.constant 0 : i32
    return %c0_i32, %c0_i32_0 : i32, i32
  }
  func.func @transform_4(%arg0: i32) -> (i32, i32) {
    %c0_i32 = arith.constant 0 : i32
    %c0_i32_0 = arith.constant 0 : i32
    %c0_i32_1 = arith.constant 0 : i32
    return %c0_i32, %c0_i32_0 : i32, i32
  }
  func.func @transform_5(%arg0: i32) -> (i32, i32) {
    %c0_i32 = arith.constant 0 : i32
    %c0_i32_0 = arith.constant 0 : i32
    %c0_i32_1 = arith.constant 0 : i32
    return %c0_i32, %c0_i32_0 : i32, i32
  }
  func.func @transform_6(%arg0: i32) -> (i32, i32) {
    %c0_i32 = arith.constant 0 : i32
    %c0_i32_0 = arith.constant 0 : i32
    return %arg0, %c0_i32 : i32, i32
  }
  func.func @transform_7(%arg0: i32) -> (i32, i32, i32) {
    %c0_i32 = arith.constant 0 : i32
    %c0_i32_0 = arith.constant 0 : i32
    %c0_i32_1 = arith.constant 0 : i32
    return %arg0, %c0_i32, %c0_i32_0 : i32, i32, i32
  }
  func.func @transform_8(%arg0: i32) -> (i32, i32) {
    %c0_i32 = arith.constant 0 : i32
    %c0_i32_0 = arith.constant 0 : i32
    %c0_i32_1 = arith.constant 0 : i32
    return %c0_i32, %c0_i32_0 : i32, i32
  }
}

module attributes {stable_mosaic.version = 14 : i64} {
  func.func @_dec_loss_body(%arg0: i32, %arg1: i32, %arg2: memref<1x3x112x224xf32, #tpu.memory_space<vmem>>, %arg3: memref<1568x256xf32, #tpu.memory_space<vmem>>, %arg4: memref<1568x256xf32, #tpu.memory_space<vmem>>, %arg5: memref<256x48xf32, #tpu.memory_space<vmem>>, %arg6: memref<1x48xf32, #tpu.memory_space<vmem>>, %arg7: memref<1x1024xf32, #tpu.memory_space<vmem>>, %arg8: memref<1x1024xf32, #tpu.memory_space<vmem>>, %arg9: memref<1x1xf32, #tpu.memory_space<vmem>>, %arg10: memref<1x1xf32, #tpu.memory_space<vmem>>, %arg11: memref<1568x256xf32, #tpu.memory_space<vmem>>, %arg12: memref<1x3x112x224xf32, #tpu.memory_space<vmem>>, %arg13: memref<1x1xf32, #tpu.memory_space<vmem>>, %arg14: memref<1x1xf32, #tpu.memory_space<vmem>>, %arg15: memref<1x1xf32, #tpu.memory_space<vmem>>, %arg16: memref<1x1xf32, #tpu.memory_space<vmem>>, %arg17: memref<2xf32, #tpu.memory_space<smem>>) attributes {dimension_semantics = [#tpu.dimension_semantics<arbitrary>, #tpu.dimension_semantics<arbitrary>], iteration_bounds = array<i64: 4, 2>, scalar_prefetch = 0 : i64, scratch_operands = 1 : i64, tpu.core_type = #tpu.core_type<tc>, window_params = [{transform_indices = @transform_0, window_bounds = array<i64: 1, 3, 112, 224>}, {transform_indices = @transform_1, window_bounds = array<i64: 1568, 256>}, {transform_indices = @transform_2, window_bounds = array<i64: 1568, 256>}, {pipeline_mode = #tpu.pipeline_mode<synchronous>, transform_indices = @transform_3, window_bounds = array<i64: 256, 48>}, {pipeline_mode = #tpu.pipeline_mode<synchronous>, transform_indices = @transform_4, window_bounds = array<i64: 1, 48>}, {pipeline_mode = #tpu.pipeline_mode<synchronous>, transform_indices = @transform_5, window_bounds = array<i64: 1, 1024>}, {pipeline_mode = #tpu.pipeline_mode<synchronous>, transform_indices = @transform_6, window_bounds = array<i64: 1, 1024>}, {pipeline_mode = #tpu.pipeline_mode<synchronous>, transform_indices = @transform_7, window_bounds = array<i64: 1, 1>}, {pipeline_mode = #tpu.pipeline_mode<synchronous>, transform_indices = @transform_8, window_bounds = array<i64: 1, 1>}, {transform_indices = @transform_9, window_bounds = array<i64: 1568, 256>}, {transform_indices = @transform_10, window_bounds = array<i64: 1, 3, 112, 224>}, {pipeline_mode = #tpu.pipeline_mode<synchronous>, transform_indices = @transform_11, window_bounds = array<i64: 1, 1>}, {pipeline_mode = #tpu.pipeline_mode<synchronous>, transform_indices = @transform_12, window_bounds = array<i64: 1, 1>}, {pipeline_mode = #tpu.pipeline_mode<synchronous>, transform_indices = @transform_13, window_bounds = array<i64: 1, 1>}, {pipeline_mode = #tpu.pipeline_mode<synchronous>, transform_indices = @transform_14, window_bounds = array<i64: 1, 1>}]} {
    %mul3A = arith.constant 2 : i32
    %mul3A_0 = arith.muli %arg0, %mul3A : i32
    %add3A = arith.addi %mul3A_0, %arg1 : i32
    %get3A = arith.constant 0 : index
    %get3A_1 = arith.constant 0 : index
    %get3A_2 = vector.load %arg3[%get3A, %get3A_1] : memref<1568x256xf32, #tpu.memory_space<vmem>>, vector<1568x256xf32>
    %get3A_3 = arith.constant 0 : index
    %get3A_4 = arith.constant 0 : index
    %get3A_5 = vector.load %arg4[%get3A_3, %get3A_4] : memref<1568x256xf32, #tpu.memory_space<vmem>>, vector<1568x256xf32>
    %sub3A = arith.subf %get3A_5, %get3A_2 : vector<1568x256xf32>
    %add3A_6 = arith.addf %get3A_2, %sub3A : vector<1568x256xf32>
    %swap3A = arith.constant 0 : index
    %swap3A_7 = arith.constant 0 : index
    %swap3A_8 = vector.load %arg11[%swap3A, %swap3A_7] : memref<1568x256xf32, #tpu.memory_space<vmem>>, vector<1568x256xf32>
    tpu.vector_store %arg11[%swap3A, %swap3A_7], %add3A_6 {strides = array<i32>} : memref<1568x256xf32, #tpu.memory_space<vmem>>, vector<1568x256xf32>,
    %get3A_9 = arith.constant 0 : index
    %get3A_10 = arith.constant 0 : index
    %get3A_11 = vector.load %arg5[%get3A_9, %get3A_10] : memref<256x48xf32, #tpu.memory_space<vmem>>, vector<256x48xf32>
    %dot_general3A = arith.constant dense<0.000000e+00> : vector<1568x48xf32>
    %dot_general3A_12 = tpu.matmul %add3A_6, %get3A_11, %dot_general3A {dimension_numbers = #tpu.dot_dimension_numbers<[1], [0], [0], [1], [0, 0, 1, 1], [], []>, transpose_lhs_hint = false} : vector<1568x256xf32>, vector<256x48xf32>, vector<1568x48xf32> -> vector<1568x48xf32>
    %get3A_13 = arith.constant 0 : index
    %get3A_14 = arith.constant 0 : index
    %get3A_15 = vector.load %arg6[%get3A_13, %get3A_14] : memref<1x48xf32, #tpu.memory_space<vmem>>, vector<1x48xf32>
    %add3A_16 = vector.broadcast %get3A_15 : vector<1x48xf32> to vector<1568x48xf32>
    %add3A_17 = arith.addf %dot_general3A_12, %add3A_16 : vector<1568x48xf32>
    %reshape3A = vector.shape_cast %add3A_17 : vector<1568x48xf32> to vector<28x56x3x4x4xf32>
    %transpose3A = tpu.transpose %reshape3A, [2, 0, 3, 1, 4] : vector<28x56x3x4x4xf32> -> vector<3x28x4x56x4xf32>
    %reshape3A_18 = vector.shape_cast %transpose3A : vector<3x28x4x56x4xf32> to vector<3x112x224xf32>
    %broadcast_in_dim3A = vector.shape_cast %reshape3A_18 : vector<3x112x224xf32> to vector<1x3x112x224xf32>
    %swap3A_19 = arith.constant 0 : index
    %swap3A_20 = arith.constant 0 : index
    %swap3A_21 = arith.constant 0 : index
    %swap3A_22 = arith.constant 0 : index
    %swap3A_23 = vector.load %arg12[%swap3A_19, %swap3A_20, %swap3A_21, %swap3A_22] : memref<1x3x112x224xf32, #tpu.memory_space<vmem>>, vector<1x3x112x224xf32>
    tpu.vector_store %arg12[%swap3A_19, %swap3A_20, %swap3A_21, %swap3A_22], %broadcast_in_dim3A {strides = array<i32>} : memref<1x3x112x224xf32, #tpu.memory_space<vmem>>, vector<1x3x112x224xf32>,
    %eq3A = arith.constant 0 : i32
    %eq3A_24 = arith.cmpi eq, %add3A, %eq3A : i32
    %convert_element_type3A = arith.extui %eq3A_24 : i1 to i32
    %cond3A = arith.constant 0 : i32
    %cond3A_25 = arith.cmpi ne, %convert_element_type3A, %cond3A : i32
    scf.if %cond3A_25 {
      %swap3A_59 = arith.constant 0.000000e+00 : f32
      %swap3A_60 = arith.constant 0 : index
      %swap3A_61 = memref.load %arg17[%swap3A_60] : memref<2xf32, #tpu.memory_space<smem>>
      memref.store %swap3A_59, %arg17[%swap3A_60] : memref<2xf32, #tpu.memory_space<smem>>
      %swap3A_62 = arith.constant 0.000000e+00 : f32
      %swap3A_63 = arith.constant 1 : index
      %swap3A_64 = memref.load %arg17[%swap3A_63] : memref<2xf32, #tpu.memory_space<smem>>
      memref.store %swap3A_62, %arg17[%swap3A_63] : memref<2xf32, #tpu.memory_space<smem>>
    } else {
    }
    %get3A_26 = arith.constant 0 : index
    %get3A_27 = memref.load %arg17[%get3A_26] : memref<2xf32, #tpu.memory_space<smem>>
    %sub3A_28 = arith.subf %get3A_5, %get3A_2 : vector<1568x256xf32>
    %integer_pow3A = arith.mulf %sub3A_28, %sub3A_28 : vector<1568x256xf32>
    %reduce_sum3A = vector.shape_cast %integer_pow3A : vector<1568x256xf32> to vector<1x1568x256xf32>
    %reduce_sum3A_29 = arith.constant dense<0.000000e+00> : vector<1xf32>
    %reduce_sum3A_30 = vector.multi_reduction <add>, %reduce_sum3A, %reduce_sum3A_29 [1, 2] : vector<1x1568x256xf32> to vector<1xf32>
    %reduce_sum3A_31 = vector.shape_cast %reduce_sum3A_30 : vector<1xf32> to vector<1x1x1xf32>
    %reduce_sum3A_32 = vector.extract %reduce_sum3A_31[0, 0, 0] : f32 from vector<1x1x1xf32>
    %add3A_33 = arith.addf %get3A_27, %reduce_sum3A_32 : f32
    %swap3A_34 = arith.constant 0 : index
    %swap3A_35 = memref.load %arg17[%swap3A_34] : memref<2xf32, #tpu.memory_space<smem>>
    memref.store %add3A_33, %arg17[%swap3A_34] : memref<2xf32, #tpu.memory_space<smem>>
    %get3A_36 = arith.constant 1 : index
    %get3A_37 = memref.load %arg17[%get3A_36] : memref<2xf32, #tpu.memory_space<smem>>
    %get3A_38 = arith.constant 0 : index
    %get3A_39 = arith.constant 0 : index
    %get3A_40 = arith.constant 0 : index
    %get3A_41 = arith.constant 0 : index
    %get3A_42 = vector.load %arg2[%get3A_38, %get3A_39, %get3A_40, %get3A_41] : memref<1x3x112x224xf32, #tpu.memory_space<vmem>>, vector<1x3x112x224xf32>
    %get3A_43 = vector.shape_cast %get3A_42 : vector<1x3x112x224xf32> to vector<3x112x224xf32>
    %sub3A_44 = arith.subf %reshape3A_18, %get3A_43 : vector<3x112x224xf32>
    %integer_pow3A_45 = arith.mulf %sub3A_44, %sub3A_44 : vector<3x112x224xf32>
    %reduce_sum3A_46 = vector.shape_cast %integer_pow3A_45 : vector<3x112x224xf32> to vector<1x3x112x224xf32>
    %reduce_sum3A_47 = arith.constant dense<0.000000e+00> : vector<1xf32>
    %reduce_sum3A_48 = vector.multi_reduction <add>, %reduce_sum3A_46, %reduce_sum3A_47 [1, 2, 3] : vector<1x3x112x224xf32> to vector<1xf32>
    %reduce_sum3A_49 = vector.shape_cast %reduce_sum3A_48 : vector<1xf32> to vector<1x1x1x1xf32>
    %reduce_sum3A_50 = vector.extract %reduce_sum3A_49[0, 0, 0, 0] : f32 from vector<1x1x1x1xf32>
    %add3A_51 = arith.addf %get3A_37, %reduce_sum3A_50 : f32
    %swap3A_52 = arith.constant 1 : index
    %swap3A_53 = memref.load %arg17[%swap3A_52] : memref<2xf32, #tpu.memory_space<smem>>
    memref.store %add3A_51, %arg17[%swap3A_52] : memref<2xf32, #tpu.memory_space<smem>>
    %eq3A_54 = arith.constant 7 : i32
    %eq3A_55 = arith.cmpi eq, %add3A, %eq3A_54 : i32
    %convert_element_type3A_56 = arith.extui %eq3A_55 : i1 to i32
    %cond3A_57 = arith.constant 0 : i32
    %cond3A_58 = arith.cmpi ne, %convert_element_type3A_56, %cond3A_57 : i32
    scf.if %cond3A_58 {
      %get3A_59 = arith.constant 0 : index
      %get3A_60 = memref.load %arg17[%get3A_59] : memref<2xf32, #tpu.memory_space<smem>>
      %get3A_61 = arith.constant 0 : index
      %get3A_62 = arith.constant 0 : index
      %get3A_63 = vector.load %arg9[%get3A_61, %get3A_62] : memref<1x1xf32, #tpu.memory_space<vmem>>, vector<1x1xf32>
      %get3A_64 = vector.extract %get3A_63[0, 0] : f32 from vector<1x1xf32>
      %add3A_65 = arith.addf %get3A_60, %get3A_64 : f32
      %get3A_66 = arith.constant 1 : index
      %get3A_67 = memref.load %arg17[%get3A_66] : memref<2xf32, #tpu.memory_space<smem>>
      %get3A_68 = arith.constant 0 : index
      %get3A_69 = arith.constant 0 : index
      %get3A_70 = vector.load %arg10[%get3A_68, %get3A_69] : memref<1x1xf32, #tpu.memory_space<vmem>>, vector<1x1xf32>
      %get3A_71 = vector.extract %get3A_70[0, 0] : f32 from vector<1x1xf32>
      %add3A_72 = arith.addf %get3A_67, %get3A_71 : f32
      %broadcast_in_dim3A_73 = arith.constant 0.000000e+00 : f32
      %broadcast_in_dim3A_74 = vector.broadcast %broadcast_in_dim3A_73 : f32 to vector<1x1xf32>
      %swap3A_75 = arith.constant 0 : index
      %swap3A_76 = arith.constant 0 : index
      %swap3A_77 = vector.load %arg14[%swap3A_75, %swap3A_76] : memref<1x1xf32, #tpu.memory_space<vmem>>, vector<1x1xf32>
      tpu.vector_store %arg14[%swap3A_75, %swap3A_76], %broadcast_in_dim3A_74 {strides = array<i32>} : memref<1x1xf32, #tpu.memory_space<vmem>>, vector<1x1xf32>,
      %reshape3A_78 = vector.broadcast %add3A_65 : f32 to vector<1x1xf32>
      %swap3A_79 = arith.constant 0 : index
      %swap3A_80 = arith.constant 0 : index
      %swap3A_81 = vector.load %arg16[%swap3A_79, %swap3A_80] : memref<1x1xf32, #tpu.memory_space<vmem>>, vector<1x1xf32>
      tpu.vector_store %arg16[%swap3A_79, %swap3A_80], %reshape3A_78 {strides = array<i32>} : memref<1x1xf32, #tpu.memory_space<vmem>>, vector<1x1xf32>,
      %reshape3A_82 = vector.broadcast %add3A_72 : f32 to vector<1x1xf32>
      %swap3A_83 = arith.constant 0 : index
      %swap3A_84 = arith.constant 0 : index
      %swap3A_85 = vector.load %arg15[%swap3A_83, %swap3A_84] : memref<1x1xf32, #tpu.memory_space<vmem>>, vector<1x1xf32>
      tpu.vector_store %arg15[%swap3A_83, %swap3A_84], %reshape3A_82 {strides = array<i32>} : memref<1x1xf32, #tpu.memory_space<vmem>>, vector<1x1xf32>,
      %broadcast_in_dim3A_86 = arith.constant 0.000000e+00 : f32
      %broadcast_in_dim3A_87 = vector.broadcast %broadcast_in_dim3A_86 : f32 to vector<1x1xf32>
      %swap3A_88 = arith.constant 0 : index
      %swap3A_89 = arith.constant 0 : index
      %swap3A_90 = vector.load %arg13[%swap3A_88, %swap3A_89] : memref<1x1xf32, #tpu.memory_space<vmem>>, vector<1x1xf32>
      tpu.vector_store %arg13[%swap3A_88, %swap3A_89], %broadcast_in_dim3A_87 {strides = array<i32>} : memref<1x1xf32, #tpu.memory_space<vmem>>, vector<1x1xf32>,
    } else {
    }
    return
  }
  func.func @transform_0(%arg0: i32, %arg1: i32) -> (i32, i32, i32, i32) {
    %add3A = arith.constant 0 : i32
    %add3A_0 = arith.addi %arg0, %add3A : i32
    %c0_i32 = arith.constant 0 : i32
    %c0_i32_1 = arith.constant 0 : i32
    %c0_i32_2 = arith.constant 0 : i32
    return %add3A_0, %c0_i32, %arg1, %c0_i32_1 : i32, i32, i32, i32
  }
  func.func @transform_1(%arg0: i32, %arg1: i32) -> (i32, i32) {
    %mul3A = arith.constant 2 : i32
    %mul3A_0 = arith.muli %arg0, %mul3A : i32
    %add3A = arith.addi %mul3A_0, %arg1 : i32
    %c0_i32 = arith.constant 0 : i32
    %c0_i32_1 = arith.constant 0 : i32
    return %add3A, %c0_i32 : i32, i32
  }
  func.func @transform_2(%arg0: i32, %arg1: i32) -> (i32, i32) {
    %mul3A = arith.constant 2 : i32
    %mul3A_0 = arith.muli %arg0, %mul3A : i32
    %add3A = arith.addi %mul3A_0, %arg1 : i32
    %c0_i32 = arith.constant 0 : i32
    %c0_i32_1 = arith.constant 0 : i32
    return %add3A, %c0_i32 : i32, i32
  }
  func.func @transform_3(%arg0: i32, %arg1: i32) -> (i32, i32) {
    %c0_i32 = arith.constant 0 : i32
    %c0_i32_0 = arith.constant 0 : i32
    %c0_i32_1 = arith.constant 0 : i32
    return %c0_i32, %c0_i32_0 : i32, i32
  }
  func.func @transform_4(%arg0: i32, %arg1: i32) -> (i32, i32) {
    %c0_i32 = arith.constant 0 : i32
    %c0_i32_0 = arith.constant 0 : i32
    %c0_i32_1 = arith.constant 0 : i32
    return %c0_i32, %c0_i32_0 : i32, i32
  }
  func.func @transform_5(%arg0: i32, %arg1: i32) -> (i32, i32) {
    %c0_i32 = arith.constant 0 : i32
    %c0_i32_0 = arith.constant 0 : i32
    %c0_i32_1 = arith.constant 0 : i32
    return %c0_i32, %c0_i32_0 : i32, i32
  }
  func.func @transform_6(%arg0: i32, %arg1: i32) -> (i32, i32) {
    %c0_i32 = arith.constant 0 : i32
    %c0_i32_0 = arith.constant 0 : i32
    %c0_i32_1 = arith.constant 0 : i32
    return %c0_i32, %c0_i32_0 : i32, i32
  }
  func.func @transform_7(%arg0: i32, %arg1: i32) -> (i32, i32) {
    %c0_i32 = arith.constant 0 : i32
    %c0_i32_0 = arith.constant 0 : i32
    %c0_i32_1 = arith.constant 0 : i32
    return %c0_i32, %c0_i32_0 : i32, i32
  }
  func.func @transform_8(%arg0: i32, %arg1: i32) -> (i32, i32) {
    %c0_i32 = arith.constant 0 : i32
    %c0_i32_0 = arith.constant 0 : i32
    %c0_i32_1 = arith.constant 0 : i32
    return %c0_i32, %c0_i32_0 : i32, i32
  }
  func.func @transform_9(%arg0: i32, %arg1: i32) -> (i32, i32) {
    %mul3A = arith.constant 2 : i32
    %mul3A_0 = arith.muli %arg0, %mul3A : i32
    %add3A = arith.addi %mul3A_0, %arg1 : i32
    %c0_i32 = arith.constant 0 : i32
    %c0_i32_1 = arith.constant 0 : i32
    return %add3A, %c0_i32 : i32, i32
  }
  func.func @transform_10(%arg0: i32, %arg1: i32) -> (i32, i32, i32, i32) {
    %c0_i32 = arith.constant 0 : i32
    %c0_i32_0 = arith.constant 0 : i32
    %c0_i32_1 = arith.constant 0 : i32
    return %arg0, %c0_i32, %arg1, %c0_i32_0 : i32, i32, i32, i32
  }
  func.func @transform_11(%arg0: i32, %arg1: i32) -> (i32, i32) {
    %c0_i32 = arith.constant 0 : i32
    %c0_i32_0 = arith.constant 0 : i32
    %c0_i32_1 = arith.constant 0 : i32
    return %c0_i32, %c0_i32_0 : i32, i32
  }
  func.func @transform_12(%arg0: i32, %arg1: i32) -> (i32, i32) {
    %c0_i32 = arith.constant 0 : i32
    %c0_i32_0 = arith.constant 0 : i32
    %c0_i32_1 = arith.constant 0 : i32
    return %c0_i32, %c0_i32_0 : i32, i32
  }
  func.func @transform_13(%arg0: i32, %arg1: i32) -> (i32, i32) {
    %c0_i32 = arith.constant 0 : i32
    %c0_i32_0 = arith.constant 0 : i32
    %c0_i32_1 = arith.constant 0 : i32
    return %c0_i32, %c0_i32_0 : i32, i32
  }
  func.func @transform_14(%arg0: i32, %arg1: i32) -> (i32, i32) {
    %c0_i32 = arith.constant 0 : i32
    %c0_i32_0 = arith.constant 0 : i32
    %c0_i32_1 = arith.constant 0 : i32
    return %c0_i32, %c0_i32_0 : i32, i32
  }
}

module attributes {stable_mosaic.version = 14 : i64} {
  func.func @_dec_loss_body(%arg0: i32, %arg1: i32, %arg2: memref<1x3x112x224xf32, #tpu.memory_space<vmem>>, %arg3: memref<1568x256xf32, #tpu.memory_space<vmem>>, %arg4: memref<1568x256xf32, #tpu.memory_space<vmem>>, %arg5: memref<256x48xf32, #tpu.memory_space<vmem>>, %arg6: memref<1x48xf32, #tpu.memory_space<vmem>>, %arg7: memref<1x1024xf32, #tpu.memory_space<vmem>>, %arg8: memref<1x1024xf32, #tpu.memory_space<vmem>>, %arg9: memref<1x1xf32, #tpu.memory_space<vmem>>, %arg10: memref<1x1xf32, #tpu.memory_space<vmem>>, %arg11: memref<1568x256xf32, #tpu.memory_space<vmem>>, %arg12: memref<1x3x112x224xf32, #tpu.memory_space<vmem>>, %arg13: memref<1x1xf32, #tpu.memory_space<vmem>>, %arg14: memref<1x1xf32, #tpu.memory_space<vmem>>, %arg15: memref<1x1xf32, #tpu.memory_space<vmem>>, %arg16: memref<1x1xf32, #tpu.memory_space<vmem>>, %arg17: memref<2xf32, #tpu.memory_space<smem>>) attributes {dimension_semantics = [#tpu.dimension_semantics<arbitrary>, #tpu.dimension_semantics<arbitrary>], iteration_bounds = array<i64: 4, 2>, scalar_prefetch = 0 : i64, scratch_operands = 1 : i64, tpu.core_type = #tpu.core_type<tc>, window_params = [{transform_indices = @transform_0, window_bounds = array<i64: 1, 3, 112, 224>}, {transform_indices = @transform_1, window_bounds = array<i64: 1568, 256>}, {transform_indices = @transform_2, window_bounds = array<i64: 1568, 256>}, {pipeline_mode = #tpu.pipeline_mode<synchronous>, transform_indices = @transform_3, window_bounds = array<i64: 256, 48>}, {pipeline_mode = #tpu.pipeline_mode<synchronous>, transform_indices = @transform_4, window_bounds = array<i64: 1, 48>}, {pipeline_mode = #tpu.pipeline_mode<synchronous>, transform_indices = @transform_5, window_bounds = array<i64: 1, 1024>}, {pipeline_mode = #tpu.pipeline_mode<synchronous>, transform_indices = @transform_6, window_bounds = array<i64: 1, 1024>}, {pipeline_mode = #tpu.pipeline_mode<synchronous>, transform_indices = @transform_7, window_bounds = array<i64: 1, 1>}, {pipeline_mode = #tpu.pipeline_mode<synchronous>, transform_indices = @transform_8, window_bounds = array<i64: 1, 1>}, {transform_indices = @transform_9, window_bounds = array<i64: 1568, 256>}, {transform_indices = @transform_10, window_bounds = array<i64: 1, 3, 112, 224>}, {pipeline_mode = #tpu.pipeline_mode<synchronous>, transform_indices = @transform_11, window_bounds = array<i64: 1, 1>}, {pipeline_mode = #tpu.pipeline_mode<synchronous>, transform_indices = @transform_12, window_bounds = array<i64: 1, 1>}, {pipeline_mode = #tpu.pipeline_mode<synchronous>, transform_indices = @transform_13, window_bounds = array<i64: 1, 1>}, {pipeline_mode = #tpu.pipeline_mode<synchronous>, transform_indices = @transform_14, window_bounds = array<i64: 1, 1>}]} {
    %mul3A = arith.constant 2 : i32
    %mul3A_0 = arith.muli %arg0, %mul3A : i32
    %add3A = arith.addi %mul3A_0, %arg1 : i32
    %get3A = arith.constant 0 : index
    %get3A_1 = arith.constant 0 : index
    %get3A_2 = vector.load %arg3[%get3A, %get3A_1] : memref<1568x256xf32, #tpu.memory_space<vmem>>, vector<1568x256xf32>
    %get3A_3 = arith.constant 0 : index
    %get3A_4 = arith.constant 0 : index
    %get3A_5 = vector.load %arg4[%get3A_3, %get3A_4] : memref<1568x256xf32, #tpu.memory_space<vmem>>, vector<1568x256xf32>
    %sub3A = arith.subf %get3A_5, %get3A_2 : vector<1568x256xf32>
    %add3A_6 = arith.addf %get3A_2, %sub3A : vector<1568x256xf32>
    %swap3A = arith.constant 0 : index
    %swap3A_7 = arith.constant 0 : index
    %swap3A_8 = vector.load %arg11[%swap3A, %swap3A_7] : memref<1568x256xf32, #tpu.memory_space<vmem>>, vector<1568x256xf32>
    tpu.vector_store %arg11[%swap3A, %swap3A_7], %add3A_6 {strides = array<i32>} : memref<1568x256xf32, #tpu.memory_space<vmem>>, vector<1568x256xf32>,
    %get3A_9 = arith.constant 0 : index
    %get3A_10 = arith.constant 0 : index
    %get3A_11 = vector.load %arg5[%get3A_9, %get3A_10] : memref<256x48xf32, #tpu.memory_space<vmem>>, vector<256x48xf32>
    %dot_general3A = arith.constant dense<0.000000e+00> : vector<1568x48xf32>
    %dot_general3A_12 = tpu.matmul %add3A_6, %get3A_11, %dot_general3A {dimension_numbers = #tpu.dot_dimension_numbers<[1], [0], [0], [1], [0, 0, 1, 1], [], []>, transpose_lhs_hint = false} : vector<1568x256xf32>, vector<256x48xf32>, vector<1568x48xf32> -> vector<1568x48xf32>
    %get3A_13 = arith.constant 0 : index
    %get3A_14 = arith.constant 0 : index
    %get3A_15 = vector.load %arg6[%get3A_13, %get3A_14] : memref<1x48xf32, #tpu.memory_space<vmem>>, vector<1x48xf32>
    %add3A_16 = vector.broadcast %get3A_15 : vector<1x48xf32> to vector<1568x48xf32>
    %add3A_17 = arith.addf %dot_general3A_12, %add3A_16 : vector<1568x48xf32>
    %reshape3A = vector.shape_cast %add3A_17 : vector<1568x48xf32> to vector<28x56x3x4x4xf32>
    %transpose3A = tpu.transpose %reshape3A, [2, 0, 3, 1, 4] : vector<28x56x3x4x4xf32> -> vector<3x28x4x56x4xf32>
    %reshape3A_18 = vector.shape_cast %transpose3A : vector<3x28x4x56x4xf32> to vector<3x112x224xf32>
    %broadcast_in_dim3A = vector.shape_cast %reshape3A_18 : vector<3x112x224xf32> to vector<1x3x112x224xf32>
    %swap3A_19 = arith.constant 0 : index
    %swap3A_20 = arith.constant 0 : index
    %swap3A_21 = arith.constant 0 : index
    %swap3A_22 = arith.constant 0 : index
    %swap3A_23 = vector.load %arg12[%swap3A_19, %swap3A_20, %swap3A_21, %swap3A_22] : memref<1x3x112x224xf32, #tpu.memory_space<vmem>>, vector<1x3x112x224xf32>
    tpu.vector_store %arg12[%swap3A_19, %swap3A_20, %swap3A_21, %swap3A_22], %broadcast_in_dim3A {strides = array<i32>} : memref<1x3x112x224xf32, #tpu.memory_space<vmem>>, vector<1x3x112x224xf32>,
    %eq3A = arith.constant 0 : i32
    %eq3A_24 = arith.cmpi eq, %add3A, %eq3A : i32
    %convert_element_type3A = arith.extui %eq3A_24 : i1 to i32
    %cond3A = arith.constant 0 : i32
    %cond3A_25 = arith.cmpi ne, %convert_element_type3A, %cond3A : i32
    scf.if %cond3A_25 {
      %swap3A_59 = arith.constant 0.000000e+00 : f32
      %swap3A_60 = arith.constant 0 : index
      %swap3A_61 = memref.load %arg17[%swap3A_60] : memref<2xf32, #tpu.memory_space<smem>>
      memref.store %swap3A_59, %arg17[%swap3A_60] : memref<2xf32, #tpu.memory_space<smem>>
      %swap3A_62 = arith.constant 0.000000e+00 : f32
      %swap3A_63 = arith.constant 1 : index
      %swap3A_64 = memref.load %arg17[%swap3A_63] : memref<2xf32, #tpu.memory_space<smem>>
      memref.store %swap3A_62, %arg17[%swap3A_63] : memref<2xf32, #tpu.memory_space<smem>>
    } else {
    }
    %get3A_26 = arith.constant 0 : index
    %get3A_27 = memref.load %arg17[%get3A_26] : memref<2xf32, #tpu.memory_space<smem>>
    %sub3A_28 = arith.subf %get3A_5, %get3A_2 : vector<1568x256xf32>
    %integer_pow3A = arith.mulf %sub3A_28, %sub3A_28 : vector<1568x256xf32>
    %reduce_sum3A = vector.shape_cast %integer_pow3A : vector<1568x256xf32> to vector<1x1568x256xf32>
    %reduce_sum3A_29 = arith.constant dense<0.000000e+00> : vector<1xf32>
    %reduce_sum3A_30 = vector.multi_reduction <add>, %reduce_sum3A, %reduce_sum3A_29 [1, 2] : vector<1x1568x256xf32> to vector<1xf32>
    %reduce_sum3A_31 = vector.shape_cast %reduce_sum3A_30 : vector<1xf32> to vector<1x1x1xf32>
    %reduce_sum3A_32 = vector.extract %reduce_sum3A_31[0, 0, 0] : f32 from vector<1x1x1xf32>
    %add3A_33 = arith.addf %get3A_27, %reduce_sum3A_32 : f32
    %swap3A_34 = arith.constant 0 : index
    %swap3A_35 = memref.load %arg17[%swap3A_34] : memref<2xf32, #tpu.memory_space<smem>>
    memref.store %add3A_33, %arg17[%swap3A_34] : memref<2xf32, #tpu.memory_space<smem>>
    %get3A_36 = arith.constant 1 : index
    %get3A_37 = memref.load %arg17[%get3A_36] : memref<2xf32, #tpu.memory_space<smem>>
    %get3A_38 = arith.constant 0 : index
    %get3A_39 = arith.constant 0 : index
    %get3A_40 = arith.constant 0 : index
    %get3A_41 = arith.constant 0 : index
    %get3A_42 = vector.load %arg2[%get3A_38, %get3A_39, %get3A_40, %get3A_41] : memref<1x3x112x224xf32, #tpu.memory_space<vmem>>, vector<1x3x112x224xf32>
    %get3A_43 = vector.shape_cast %get3A_42 : vector<1x3x112x224xf32> to vector<3x112x224xf32>
    %sub3A_44 = arith.subf %reshape3A_18, %get3A_43 : vector<3x112x224xf32>
    %integer_pow3A_45 = arith.mulf %sub3A_44, %sub3A_44 : vector<3x112x224xf32>
    %reduce_sum3A_46 = vector.shape_cast %integer_pow3A_45 : vector<3x112x224xf32> to vector<1x3x112x224xf32>
    %reduce_sum3A_47 = arith.constant dense<0.000000e+00> : vector<1xf32>
    %reduce_sum3A_48 = vector.multi_reduction <add>, %reduce_sum3A_46, %reduce_sum3A_47 [1, 2, 3] : vector<1x3x112x224xf32> to vector<1xf32>
    %reduce_sum3A_49 = vector.shape_cast %reduce_sum3A_48 : vector<1xf32> to vector<1x1x1x1xf32>
    %reduce_sum3A_50 = vector.extract %reduce_sum3A_49[0, 0, 0, 0] : f32 from vector<1x1x1x1xf32>
    %add3A_51 = arith.addf %get3A_37, %reduce_sum3A_50 : f32
    %swap3A_52 = arith.constant 1 : index
    %swap3A_53 = memref.load %arg17[%swap3A_52] : memref<2xf32, #tpu.memory_space<smem>>
    memref.store %add3A_51, %arg17[%swap3A_52] : memref<2xf32, #tpu.memory_space<smem>>
    %eq3A_54 = arith.constant 7 : i32
    %eq3A_55 = arith.cmpi eq, %add3A, %eq3A_54 : i32
    %convert_element_type3A_56 = arith.extui %eq3A_55 : i1 to i32
    %cond3A_57 = arith.constant 0 : i32
    %cond3A_58 = arith.cmpi ne, %convert_element_type3A_56, %cond3A_57 : i32
    scf.if %cond3A_58 {
      %get3A_59 = arith.constant 0 : index
      %get3A_60 = memref.load %arg17[%get3A_59] : memref<2xf32, #tpu.memory_space<smem>>
      %get3A_61 = arith.constant 0 : index
      %get3A_62 = arith.constant 0 : index
      %get3A_63 = vector.load %arg9[%get3A_61, %get3A_62] : memref<1x1xf32, #tpu.memory_space<vmem>>, vector<1x1xf32>
      %get3A_64 = vector.extract %get3A_63[0, 0] : f32 from vector<1x1xf32>
      %add3A_65 = arith.addf %get3A_60, %get3A_64 : f32
      %get3A_66 = arith.constant 1 : index
      %get3A_67 = memref.load %arg17[%get3A_66] : memref<2xf32, #tpu.memory_space<smem>>
      %get3A_68 = arith.constant 0 : index
      %get3A_69 = arith.constant 0 : index
      %get3A_70 = vector.load %arg10[%get3A_68, %get3A_69] : memref<1x1xf32, #tpu.memory_space<vmem>>, vector<1x1xf32>
      %get3A_71 = vector.extract %get3A_70[0, 0] : f32 from vector<1x1xf32>
      %add3A_72 = arith.addf %get3A_67, %get3A_71 : f32
      %div3A = arith.constant 0x4AC40000 : f32
      %div3A_73 = arith.divf %add3A_65, %div3A : f32
      %mul3A_74 = arith.constant 2.500000e-01 : f32
      %mul3A_75 = arith.mulf %mul3A_74, %div3A_73 : f32
      %add3A_76 = arith.addf %div3A_73, %mul3A_75 : f32
      %div3A_77 = arith.constant 0x49930000 : f32
      %div3A_78 = arith.divf %add3A_72, %div3A_77 : f32
      %div3A_79 = arith.constant 1.000000e+00 : f32
      %div3A_80 = arith.divf %div3A_78, %div3A_79 : f32
      %get3A_81 = arith.constant 0 : index
      %get3A_82 = arith.constant 0 : index
      %get3A_83 = vector.load %arg7[%get3A_81, %get3A_82] : memref<1x1024xf32, #tpu.memory_space<vmem>>, vector<1x1024xf32>
      %get3A_84 = arith.constant 0 : index
      %get3A_85 = arith.constant 0 : index
      %get3A_86 = vector.load %arg8[%get3A_84, %get3A_85] : memref<1x1024xf32, #tpu.memory_space<vmem>>, vector<1x1024xf32>
      %add3A_87 = arith.addf %get3A_83, %get3A_86 : vector<1x1024xf32>
      %div3A_88 = arith.constant 2.508800e+04 : f32
      %div3A_89 = vector.broadcast %div3A_88 : f32 to vector<1x1024xf32>
      %div3A_90 = arith.divf %add3A_87, %div3A_89 : vector<1x1024xf32>
      %add3A_91 = arith.constant 1.000000e-10 : f32
      %add3A_92 = vector.broadcast %add3A_91 : f32 to vector<1x1024xf32>
      %add3A_93 = arith.addf %div3A_90, %add3A_92 : vector<1x1024xf32>
      %log3A = math.log %add3A_93 : vector<1x1024xf32>
      %mul3A_94 = arith.mulf %div3A_90, %log3A : vector<1x1024xf32>
      %reduce_sum3A_95 = vector.shape_cast %mul3A_94 : vector<1x1024xf32> to vector<1x1x1024xf32>
      %reduce_sum3A_96 = arith.constant dense<0.000000e+00> : vector<1xf32>
      %reduce_sum3A_97 = vector.multi_reduction <add>, %reduce_sum3A_95, %reduce_sum3A_96 [1, 2] : vector<1x1x1024xf32> to vector<1xf32>
      %reduce_sum3A_98 = vector.shape_cast %reduce_sum3A_97 : vector<1xf32> to vector<1x1x1xf32>
      %reduce_sum3A_99 = vector.extract %reduce_sum3A_98[0, 0, 0] : f32 from vector<1x1x1xf32>
      %neg3A = arith.constant 0.000000e+00 : f32
      %neg3A_100 = arith.subf %neg3A, %reduce_sum3A_99 : f32
      %exp3A = math.exp %neg3A_100 : f32
      %reshape3A_101 = vector.broadcast %exp3A : f32 to vector<1x1xf32>
      %swap3A_102 = arith.constant 0 : index
      %swap3A_103 = arith.constant 0 : index
      %swap3A_104 = vector.load %arg14[%swap3A_102, %swap3A_103] : memref<1x1xf32, #tpu.memory_space<vmem>>, vector<1x1xf32>
      tpu.vector_store %arg14[%swap3A_102, %swap3A_103], %reshape3A_101 {strides = array<i32>} : memref<1x1xf32, #tpu.memory_space<vmem>>, vector<1x1xf32>,
      %reshape3A_105 = vector.broadcast %add3A_76 : f32 to vector<1x1xf32>
      %swap3A_106 = arith.constant 0 : index
      %swap3A_107 = arith.constant 0 : index
      %swap3A_108 = vector.load %arg16[%swap3A_106, %swap3A_107] : memref<1x1xf32, #tpu.memory_space<vmem>>, vector<1x1xf32>
      tpu.vector_store %arg16[%swap3A_106, %swap3A_107], %reshape3A_105 {strides = array<i32>} : memref<1x1xf32, #tpu.memory_space<vmem>>, vector<1x1xf32>,
      %reshape3A_109 = vector.broadcast %div3A_80 : f32 to vector<1x1xf32>
      %swap3A_110 = arith.constant 0 : index
      %swap3A_111 = arith.constant 0 : index
      %swap3A_112 = vector.load %arg15[%swap3A_110, %swap3A_111] : memref<1x1xf32, #tpu.memory_space<vmem>>, vector<1x1xf32>
      tpu.vector_store %arg15[%swap3A_110, %swap3A_111], %reshape3A_109 {strides = array<i32>} : memref<1x1xf32, #tpu.memory_space<vmem>>, vector<1x1xf32>,
      %add3A_113 = arith.addf %div3A_80, %add3A_76 : f32
      %reshape3A_114 = vector.broadcast %add3A_113 : f32 to vector<1x1xf32>
      %swap3A_115 = arith.constant 0 : index
      %swap3A_116 = arith.constant 0 : index
      %swap3A_117 = vector.load %arg13[%swap3A_115, %swap3A_116] : memref<1x1xf32, #tpu.memory_space<vmem>>, vector<1x1xf32>
      tpu.vector_store %arg13[%swap3A_115, %swap3A_116], %reshape3A_114 {strides = array<i32>} : memref<1x1xf32, #tpu.memory_space<vmem>>, vector<1x1xf32>,
    } else {
    }
    return
  }
  func.func @transform_0(%arg0: i32, %arg1: i32) -> (i32, i32, i32, i32) {
    %add3A = arith.constant 4 : i32
    %add3A_0 = arith.addi %arg0, %add3A : i32
    %c0_i32 = arith.constant 0 : i32
    %c0_i32_1 = arith.constant 0 : i32
    %c0_i32_2 = arith.constant 0 : i32
    return %add3A_0, %c0_i32, %arg1, %c0_i32_1 : i32, i32, i32, i32
  }
  func.func @transform_1(%arg0: i32, %arg1: i32) -> (i32, i32) {
    %mul3A = arith.constant 2 : i32
    %mul3A_0 = arith.muli %arg0, %mul3A : i32
    %add3A = arith.addi %mul3A_0, %arg1 : i32
    %c0_i32 = arith.constant 0 : i32
    %c0_i32_1 = arith.constant 0 : i32
    return %add3A, %c0_i32 : i32, i32
  }
  func.func @transform_2(%arg0: i32, %arg1: i32) -> (i32, i32) {
    %mul3A = arith.constant 2 : i32
    %mul3A_0 = arith.muli %arg0, %mul3A : i32
    %add3A = arith.addi %mul3A_0, %arg1 : i32
    %c0_i32 = arith.constant 0 : i32
    %c0_i32_1 = arith.constant 0 : i32
    return %add3A, %c0_i32 : i32, i32
  }
  func.func @transform_3(%arg0: i32, %arg1: i32) -> (i32, i32) {
    %c0_i32 = arith.constant 0 : i32
    %c0_i32_0 = arith.constant 0 : i32
    %c0_i32_1 = arith.constant 0 : i32
    return %c0_i32, %c0_i32_0 : i32, i32
  }
  func.func @transform_4(%arg0: i32, %arg1: i32) -> (i32, i32) {
    %c0_i32 = arith.constant 0 : i32
    %c0_i32_0 = arith.constant 0 : i32
    %c0_i32_1 = arith.constant 0 : i32
    return %c0_i32, %c0_i32_0 : i32, i32
  }
  func.func @transform_5(%arg0: i32, %arg1: i32) -> (i32, i32) {
    %c0_i32 = arith.constant 0 : i32
    %c0_i32_0 = arith.constant 0 : i32
    %c0_i32_1 = arith.constant 0 : i32
    return %c0_i32, %c0_i32_0 : i32, i32
  }
  func.func @transform_6(%arg0: i32, %arg1: i32) -> (i32, i32) {
    %c0_i32 = arith.constant 0 : i32
    %c0_i32_0 = arith.constant 0 : i32
    %c0_i32_1 = arith.constant 0 : i32
    return %c0_i32, %c0_i32_0 : i32, i32
  }
  func.func @transform_7(%arg0: i32, %arg1: i32) -> (i32, i32) {
    %c0_i32 = arith.constant 0 : i32
    %c0_i32_0 = arith.constant 0 : i32
    %c0_i32_1 = arith.constant 0 : i32
    return %c0_i32, %c0_i32_0 : i32, i32
  }
  func.func @transform_8(%arg0: i32, %arg1: i32) -> (i32, i32) {
    %c0_i32 = arith.constant 0 : i32
    %c0_i32_0 = arith.constant 0 : i32
    %c0_i32_1 = arith.constant 0 : i32
    return %c0_i32, %c0_i32_0 : i32, i32
  }
  func.func @transform_9(%arg0: i32, %arg1: i32) -> (i32, i32) {
    %mul3A = arith.constant 2 : i32
    %mul3A_0 = arith.muli %arg0, %mul3A : i32
    %add3A = arith.addi %mul3A_0, %arg1 : i32
    %c0_i32 = arith.constant 0 : i32
    %c0_i32_1 = arith.constant 0 : i32
    return %add3A, %c0_i32 : i32, i32
  }
  func.func @transform_10(%arg0: i32, %arg1: i32) -> (i32, i32, i32, i32) {
    %c0_i32 = arith.constant 0 : i32
    %c0_i32_0 = arith.constant 0 : i32
    %c0_i32_1 = arith.constant 0 : i32
    return %arg0, %c0_i32, %arg1, %c0_i32_0 : i32, i32, i32, i32
  }
  func.func @transform_11(%arg0: i32, %arg1: i32) -> (i32, i32) {
    %c0_i32 = arith.constant 0 : i32
    %c0_i32_0 = arith.constant 0 : i32
    %c0_i32_1 = arith.constant 0 : i32
    return %c0_i32, %c0_i32_0 : i32, i32
  }
  func.func @transform_12(%arg0: i32, %arg1: i32) -> (i32, i32) {
    %c0_i32 = arith.constant 0 : i32
    %c0_i32_0 = arith.constant 0 : i32
    %c0_i32_1 = arith.constant 0 : i32
    return %c0_i32, %c0_i32_0 : i32, i32
  }
  func.func @transform_13(%arg0: i32, %arg1: i32) -> (i32, i32) {
    %c0_i32 = arith.constant 0 : i32
    %c0_i32_0 = arith.constant 0 : i32
    %c0_i32_1 = arith.constant 0 : i32
    return %c0_i32, %c0_i32_0 : i32, i32
  }
  func.func @transform_14(%arg0: i32, %arg1: i32) -> (i32, i32) {
    %c0_i32 = arith.constant 0 : i32
    %c0_i32_0 = arith.constant 0 : i32
    %c0_i32_1 = arith.constant 0 : i32
    return %c0_i32, %c0_i32_0 : i32, i32
  }
}

</mosaic_0001>

<sc_bundles>
// kernel: kernel.11.cloned.1.call-start
scs
__scs_entry_jumppad:
0x0: {  	(pc) =	sbr.rel $0x88, $3  }
0x1: {  	(tag) =	ssettag $0x0;
	lr =	simm.s32 $0x1  }
0x2: {  	[smem:$0x3F99] =	sst lr;
	_ =	strace $0xD0000000  }
0x3: {  	_ = 	snop  }
0x4: {  	_ = 	snop  }
0x5: {  	_ = 	snop  }
0x6: {  	_ = 	snop  }
0x7: {  	_ = 	snop  }
__scs_overlays_trampoline_lowered:
0x8: {  	[smem:$0x3FA8] =	sst s0  }
0x9: {  	[smem:$0x3FA9] =	sst s1  }
0xa: {  	[smem:$0x3FAA] =	sst s2  }
0xb: {  	[smem:$0x3FAB] =	sst s3  }
0xc: {  	[smem:$0x3FAC] =	sst s4  }
0xd: {  	[smem:$0x3FAD] =	sst s5  }
0xe: {  	[smem:$0x3FAE] =	sst s6  }
0xf: {  	[smem:$0x3FAF] =	sst s7  }
0x10: {  	[smem:$0x3FB0] =	sst s8  }
0x11: {  	[smem:$0x3FB1] =	sst s9;
	s0 =	simm.s32 @!p0 $0x0  }
0x12: {  	s1 =	sld [smem:$0x3F97];
	s0 =	simm.s32 @p0 $0x1  }
0x13: {  	[smem:$0x3FB2] =	sst s0;
	s0 =	simm.s32 @!p1 $0x0  }
0x14: {  	s2 =	sld [smem:$0x3F96];
	s0 =	simm.s32 @p1 $0x1  }
0x15: {  	[smem:$0x3FB3] =	sst s0;
	s0 =	simm.s32 @!p2 $0x0  }
0x16: {  	s3 =	sld [smem:$0x3FDB];
	s0 =	simm.s32 @p2 $0x1  }
0x17: {  	s4 =	simm.s32 $0x1BF5;
	[smem:$0x3FB5] =	sst s0  }
0x18: {  	s0 =	sld [smem:$0x3F98];
	_ =	swait.ge [sflag:s4], $0x0  }
0x19: {  	s7 =	sld [smem:$0x3F99]  }
0x1a: {  	s8 =	sadd.s32 $0xFFFFE003, lr  }
0x1b: {  	s9 =	sadd.s32 $0xFFFFFEF7, lr;
	s5 =	simm.s32 $0xFFFFFFFF;
	p2 =	slt.u32 s8, $0xFFFFF086  }
0x1c: {  	p1 =	slt.u32 s9, $0xF7A;
	s5 =	simm.s32 @!p2 $0x0  }
0x1d: {  	s5 =	simm.s32 @p1 $0x1;
	p0 =	seq.s32 s7, s2  }
0x1e: {  	s7 =	smul.u32 @!p0 $0xF7A, s2;
	p2 =	seq.s32 @!p0 s5, $0x0  }
0x1f: {  	s9 =	smul.u32 $0xF7A, s1;
	s8 =	simm.s32 @!p0 $0x1BF5;
	p2 =	por !p2, p0  }
0x20: {  	[sflag:s8] =	ssyncset.s32 @!p0 $0xFFFFF086;
	s6 =	sadd.s32 @!p0 s3, s7;
	s7 =	simm.s32 @!p0 $0x108  }
0x21: {  	s3 =	sadd.s32 s3, s9;
	s6 =	sadd.s32 @!p0 $0x88, s6;
	s7 =	simm.s32 @p2 $0x1082  }
0x22: {  	[simem:s7], [sflag:s8] =	dma.local @!p0 [hbm:s6], $0xF7A  }
0x23: {  	s9 =	sor.u32 $0xD0000000, s2;
	s6 =	simm.s32 $0x108;
	_ =	swait.ge @!p0 [sflag:s8], $0x0  }
0x24: {  	s3 =	sadd.s32 $0x88, s3;
	s6 =	simm.s32 @!p1 $0x1082;
	[sflag:s4] =	ssyncset.s32 $0xFFFFF086  }
0x25: {  	[simem:s6], [sflag:s4] =	dma.local [hbm:s3], $0xF7A  }
0x26: {  	[smem:$0x3F99] =	sst s1;
	(tag) =	ssettag s2;
	_ =	strace s9  }
0x27: {  	s1 =	sld [smem:$0x3FA9]  }
0x28: {  	s2 =	sld [smem:$0x3FAA]  }
0x29: {  	s4 =	sld [smem:$0x3FAC]  }
0x2a: {  	p0 =	seq.s32 s5, $0x0;
	s5 =	sld [smem:$0x3FAD]  }
0x2b: {  	s6 =	sld [smem:$0x3FAE]  }
0x2c: {  	s7 =	sld [smem:$0x3FAF]  }
0x2d: {  	s3 =	simm.s32 $0x108;
	s8 =	sld [smem:$0x3FB0]  }
0x2e: {  	s3 =	simm.s32 @!p0 $0x1082;
	s9 =	sld [smem:$0x3FB1]  }
0x2f: {  	lr =	sadd.s32 s0, s3;
	s0 =	sld [smem:$0x3FA8]  }
0x30: {  	s3 =	sld [smem:$0x3FAB]  }
0x31: {  	[smem:$0x3FB4] =	sst s10  }
0x32: {  	s10 =	sld [smem:$0x3FB2];
	_ =	sdelay $0x3  }
0x33: {  	p0 =	seq.s32 s10, $0x1;
	s10 =	sld [smem:$0x3FB4];
	_ =	sdelay $0x3  }
0x34: {  	[smem:$0x3FB4] =	sst s10  }
0x35: {  	s10 =	sld [smem:$0x3FB3];
	_ =	sdelay $0x3  }
0x36: {  	p1 =	seq.s32 s10, $0x1;
	s10 =	sld [smem:$0x3FB4];
	_ =	sdelay $0x3  }
0x37: {  	[smem:$0x3FB4] =	sst s10  }
0x38: {  	s10 =	sld [smem:$0x3FB5]  }
0x39: {  	_ = 	snop;
	(pc) =	sbr.ind lr, $3  }
0x3a: {  	_ = 	snop  }
0x3b: {  	_ = 	snop  }
0x3c: {  	p2 =	seq.s32 s10, $0x1;
	s10 =	sld [smem:$0x3FB4]  }
0x3d: {  	_ =	shalt  }
0x3e: {  	_ =	shalt  }
0x3f: {  	_ =	shalt  }
0x40: {  	_ =	shalt  }
0x41: {  	_ =	shalt  }
0x42: {  	_ =	shalt  }
0x43: {  	_ =	shalt  }
0x44: {  	_ =	shalt  }
0x45: {  	_ =	shalt  }
0x46: {  	_ =	shalt  }
0x47: {  	_ =	shalt  }
0x48: {  	_ =	shalt  }
0x49: {  	_ =	shalt  }
0x4a: {  	_ =	shalt  }
0x4b: {  	_ =	shalt  }
0x4c: {  	_ =	shalt  }
0x4d: {  	_ =	shalt  }
0x4e: {  	_ =	shalt  }
0x4f: {  	_ =	shalt  }
0x50: {  	_ =	shalt  }
0x51: {  	_ =	shalt  }
0x52: {  	_ =	shalt  }
0x53: {  	_ =	shalt  }
0x54: {  	_ =	shalt  }
0x55: {  	_ =	shalt  }
0x56: {  	_ =	shalt  }
0x57: {  	_ =	shalt  }
0x58: {  	_ =	shalt  }
0x59: {  	_ =	shalt  }
0x5a: {  	_ =	shalt  }
0x5b: {  	_ =	shalt  }
0x5c: {  	_ =	shalt  }
0x5d: {  	_ =	shalt  }
0x5e: {  	_ =	shalt  }
0x5f: {  	_ =	shalt  }
0x60: {  	_ =	shalt  }
0x61: {  	_ =	shalt  }
0x62: {  	_ =	shalt  }
0x63: {  	_ =	shalt  }
0x64: {  	_ =	shalt  }
0x65: {  	_ =	shalt  }
0x66: {  	_ =	shalt  }
0x67: {  	_ =	shalt  }
0x68: {  	_ =	shalt  }
0x69: {  	_ =	shalt  }
0x6a: {  	_ =	shalt  }
0x6b: {  	_ =	shalt  }
0x6c: {  	_ =	shalt  }
0x6d: {  	_ =	shalt  }
0x6e: {  	_ =	shalt  }
0x6f: {  	_ =	shalt  }
0x70: {  	_ =	shalt  }
0x71: {  	_ =	shalt  }
0x72: {  	_ =	shalt  }
0x73: {  	_ =	shalt  }
0x74: {  	_ =	shalt  }
0x75: {  	_ =	shalt  }
0x76: {  	_ =	shalt  }
0x77: {  	_ =	shalt  }
0x78: {  	_ =	shalt  }
0x79: {  	_ =	shalt  }
0x7a: {  	_ =	shalt  }
0x7b: {  	_ =	shalt  }
0x7c: {  	_ =	shalt  }
0x7d: {  	_ =	shalt  }
0x7e: {  	_ =	shalt  }
0x7f: {  	_ =	shalt  }
0x80: {  	_ =	shalt  }
0x81: {  	_ =	shalt  }
0x82: {  	_ =	shalt  }
0x83: {  	_ =	shalt  }
0x84: {  	_ =	shalt  }
0x85: {  	_ =	shalt  }
0x86: {  	_ =	shalt  }
0x87: {  	_ =	shalt  }
.Lfunc_end0:
.L_simem_size_0:
called_computation.1_lowered:
.L_overlay_start_0:
0x88: {  	s2 =	sld [smem:$0x3FD9]  }
0x89: {  	s3 =	sld [smem:$0x3FFE];
	_ =	sdelay $0x1  }
0x8a: {  	s1 =	srdreg.scid  }
0x8b: {  	s0 =	sand.u32 $0x1, s1  }
0x8c: {  	s15 =	sshll.u32 s0, $0xA;
	s2 =	sadd.s32 s3, s2  }
0x8d: {  	s2 =	sadd.s32 s2, s15  }
0x8e: {  	[smem:$0x3FC0] =	sst s2  }
0x8f: {  	_ = 	snop  }
0x90: {  	s16 =	sld [smem:$0x3FD0];
	_ =	sdelay $0x2  }
0x91: {  	s4 =	simm.s32 $0xB;
	s5 =	simm.s32 $0x10;
	s2 =	sld [smem:$0x3FC2]  }
0x92: {  	[smem:s5], [sflag:s4] =	dma.local [hbm:s16], $0x1  }
0x93: {  	_ =	swait.eq [sflag:s4], $0x1  }
0x94: {  	[sflag:s4] =	ssyncset.done $0x0  }
0x95: {  	[sflag:s4] =	ssyncadd.s32 $0xFFFFFFFF  }
0x96: {  	s17 =	sld [smem:$0x11];
	(tm) =	ssettm $0x1  }
0x97: {  	s18 =	sld [smem:$0x3FFB];
	_ =	sdelay $0x3  }
0x98: {  	_ =	strace s18  }
0x99: {  	s3 =	sld [smem:$0x3FFC];
	_ =	sdelay $0x3  }
0x9a: {  	_ =	strace s3  }
0x9b: {  	s3 =	sld [smem:$0x3FFD];
	_ =	sdelay $0x3  }
0x9c: {  	_ =	strace s3  }
0x9d: {  	_ =	strace $0x8FFFFFFF  }
0x9e: {  	s19 =	sld [smem:$0x3FDB];
	_ =	sdelay $0x1  }
0x9f: {  	s20 =	simm.s32 $_scs_section_size  }
0xa0: {  	s6 =	simm.s32 $_size__tile_overlayer_lowered;
	s7 =	simm.s32 $_tile_overlayer_lowered  }
0xa1: {  	s8 =	simm.s32 $0x1BFF;
	s21 =	sshll.u32 s7, $0x1;
	s5 =	sadd.s32 s20, s19  }
0xa2: {  	s22 =	simm.s32 $0x0;
	s6 =	sshll.u32 s6, $0x1;
	s7 =	sadd.s32 s21, s5  }
0xa3: {  	[timem:s22], [sflag:s8] =	dma.local [hbm:s7], s6  }
0xa4: {  	_ =	swait.ge [sflag:s8], s6  }
0xa5: {  	s6 =	ssub.s32 $0x0, s6;
	[sflag:s8] =	ssyncset.done $0x0  }
0xa6: {  	[sflag:s8] =	ssyncadd.s32 s6;
	_ =	sdelay $0x1  }
0xa7: {  	s23 =	simm.s32 $0x1B8B  }
0xa8: {  	_ =	swait.ge [sflag:s23], $0x1  }
0xa9: {  	[sflag:s23] =	ssyncset.done $0x0  }
0xaa: {  	[sflag:s23] =	ssyncadd.s32 $0xFFFFFFFF  }
0xab: {  	s6 =	sld [smem:$0x0]  }
0xac: {  	s7 =	sand.u32 $0xFFFFFFFE, s1  }
0xad: {  	p0 =	sne.s32 s1, s7  }
0xae: {  	s7 =	sshll.u32 @p0 s7, $0xE  }
0xaf: {  	s7 =	sadd.s32 @p0 $0x11B8D, s7;
	s8 =	sshll.u32 @p0 s6, $0x11  }
0xb0: {  	s7 =	sor.u32 @p0 s8, s7  }
0xb1: {  	[sflag:s7] =	ssyncadd.remote.s32 @p0 $0x1;
	_ =	sdelay $0x1  }
0xb2: {  	s7 =	simm.s32 @p0 $0x1B8D  }
0xb3: {  	_ =	swait.eq @p0 [sflag:s7], $0x1  }
0xb4: {  	[sflag:s7] =	ssyncadd.s32 @p0 $0xFFFFFFFF  }
0xb5: {  	s8 =	sshll.u32 @!p0 s1, $0xE  }
0xb6: {  	s8 =	sor.u32 @!p0 $0x4000, s8;
	s7 =	simm.s32 @!p0 $0x1B8D  }
0xb7: {  	s6 =	sshll.u32 @!p0 s6, $0x11;
	s8 =	sadd.s32 @!p0 $0x11B8D, s8;
	_ =	swait.eq @!p0 [sflag:s7], $0x1  }
0xb8: {  	s6 =	sor.u32 @!p0 s6, s8;
	[sflag:s7] =	ssyncadd.s32 @!p0 $0xFFFFFFFF  }
0xb9: {  	s25 =	simm.s32 $0x1B8E;
	s24 =	sld [smem:$0x3FFE];
	[sflag:s6] =	ssyncadd.remote.s32 @!p0 $0x1  }
0xba: {  	s26 =	simm.s32 $execute0_lowered;
	[smem:$0x3FD2] =	sst s25  }
0xbb: {  	s7 =	sshll.u32 s26, $0x1;
	_ =	strace $0x80000049;
	[dreg:$0x1] =	wrdreg $0xFFFFFFFF  }
0xbc: {  	s28 =	simm.s32 $_size_execute0_lowered;
	s5 =	sadd.s32 s5, s7;
	[dreg:$0x0] =	wrdreg $0x0  }
0xbd: {  	s7 =	sshll.u32 s28, $0x1;
	[dreg:$0x2] =	wrdreg s5  }
0xbe: {  	[dreg:$0x3] =	wrdreg s7  }
0xbf: {  	[dreg:$0x4] =	wrdreg $0xC0  }
0xc0: {  	_ =	task [dreg:s22], $0x5FFFF  }
0xc1: {  	[dreg:$0x1] =	wrdreg $0xFFFFFFFF  }
0xc2: {  	[dreg:$0x0] =	wrdreg $0x60  }
0xc3: {  	[dreg:$0x2] =	wrdreg s2  }
0xc4: {  	[dreg:$0x3] =	wrdreg s17  }
0xc5: {  	[dreg:$0x4] =	wrdreg s24  }
0xc6: {  	[dreg:$0x5] =	wrdreg $0xA  }
0xc7: {  	_ =	task.clear_ibuf [dreg:s22], $0x6FFFF;
	_ =	strace $0x90000049  }
0xc8: {  	s29 =	simm.s32 $0xA;
	_ =	strace $0x8000004B  }
0xc9: {  	_ =	swait.ge [sflag:s29], $0x1  }
0xca: {  	[sflag:s29] =	ssyncadd.s32 $0xFFFFFFFF  }
0xcb: {  	_ =	strace $0x9000004B  }
0xcc: {  	_ =	sfence  }
0xcd: {  	s30 =	sld [smem:$0x0];
	_ =	sdelay $0x2  }
0xce: {  	s31 =	sshll.u32 s1, $0xD;
	s1 =	sshrl.u32 s1, $0x2  }
0xcf: {  	s4 =	sand.u32 $0x4000, s31;
	s1 =	sadd.s32 s1, s30  }
0xd0: {  	s0 =	sor.u32 s4, s0;
	s1 =	sshll.u32 s1, $0x11  }
0xd1: {  	s0 =	sor.u32 s1, s0  }
0xd2: {  	s0 =	sadd.s32 $0x8F2B, s0  }
0xd3: {  	[sflag:s0] =	ssyncadd.remote.s32 $0x1  }
0xd4: {  	_ =	sfence.sel $0xFFFF  }
0xd5: {  	[dreg:$0x0] =	wrdreg $0xFFFFFFFF;
	(pc) =	sbr.abs _section_cstart, $3  }
0xd6: {  	[dreg:$0x1] =	wrdreg $0xFFFFFFFF  }
0xd7: {  	_ =	task.clear_ibuf [dreg:s22], $0x2FFFF;
	_ =	strace $0x9FFFFFFF  }
0xd8: {  	(tm) =	ssettm $0x7FFFFFFF  }
0xd9: {  	_ =	shalt  }
tec
execute0_lowered:
.L_overlay_start_1:
0x0: {  	(tag) =	ssettag $0x1  }
0x1: {  	s2 =	srdreg.scid  }
0x2: {  	s0 =	stileid.u32;
	s1 =	rddreg [dreg:$0x0]  }
0x3: {  	s4 =	rddreg [dreg:$0x1];
	s2 =	sand.u32 $0x1, s2;
	s3 =	sshll.u32 s0, $0x1  }
0x4: {  	s6 =	rddreg [dreg:$0x2];
	s5 =	sor.u32 s2, s3;
	s3 =	simm.s32 $0x0  }
0x5: {  	s25 =	simm.s32 $0xA00;
	[smem:$0x7FF] =	sst s3  }
0x6: {  	s26 =	simm.s32 $0x1200;
	_ =	strace $0x8000004A;
	[dreg:$0x6] =	wrdreg s25  }
0x7: {  	s0 =	simm.s32 $0x1A00;
	[dreg:$0x7] =	wrdreg s26  }
0x8: {  	s8 =	simm.s32 $0x3A00;
	[dreg:$0x8] =	wrdreg s0  }
0x9: {  	s9 =	simm.s32 $0x4200;
	[dreg:$0xc] =	wrdreg s8  }
0xa: {  	s10 =	simm.s32 $0x4A00;
	[dreg:$0xd] =	wrdreg s9  }
0xb: {  	s11 =	simm.s32 $0x5200;
	[dreg:$0xe] =	wrdreg s10  }
0xc: {  	s12 =	simm.s32 $0x5A00;
	[dreg:$0xf] =	wrdreg s11  }
0xd: {  	s13 =	simm.s32 $0x6200;
	[dreg:$0x10] =	wrdreg s12  }
0xe: {  	s14 =	simm.s32 $0x6A00;
	[dreg:$0x11] =	wrdreg s13  }
0xf: {  	s15 =	simm.s32 $0x7200;
	s16 =	simm.s32 $0x7A00;
	[dreg:$0x12] =	wrdreg s14  }
0x10: {  	s17 =	simm.s32 $0x8200;
	s18 =	simm.s32 $0x8A00;
	[dreg:$0x13] =	wrdreg s15  }
0x11: {  	s19 =	simm.s32 $0x9200;
	s20 =	simm.s32 $0x9A00;
	[dreg:$0x14] =	wrdreg s16  }
0x12: {  	s21 =	simm.s32 $0xA200;
	s23 =	simm.s32 $0xAA00;
	[dreg:$0x15] =	wrdreg s17  }
0x13: {  	s28 =	simm.s32 $0x16A00;
	s29 =	simm.s32 $0x17200;
	[dreg:$0x16] =	wrdreg s18  }
0x14: {  	s30 =	simm.s32 $0x17A00;
	s31 =	simm.s32 $0x18200;
	[dreg:$0x17] =	wrdreg s19  }
0x15: {  	s2 =	ssub.s32 $0x2, s2;
	s7 =	smul.u32 $0x3100, s5;
	[dreg:$0x18] =	wrdreg s20  }
0x16: {  	s5 =	smul.u32 $0x31, s5;
	s22 =	sshrl.u32 s2, $0x1;
	[dreg:$0x19] =	wrdreg s21  }
0x17: {  	s2 =	ssub.s32 s2, s22;
	[dreg:$0x1a] =	wrdreg s23;
	s25 =	simm.s32 $0xBA00  }
0x18: {  	s26 =	simm.s32 $0xC200;
	s8 =	simm.s32 $0xD200;
	s9 =	simm.s32 $0xDA00  }
0x19: {  	s10 =	simm.s32 $0xE200;
	s11 =	simm.s32 $0xEA00;
	s12 =	simm.s32 $0xF200  }
0x1a: {  	s13 =	simm.s32 $0xFA00;
	s14 =	simm.s32 $0x10200;
	s15 =	simm.s32 $0x10A00  }
0x1b: {  	s16 =	simm.s32 $0x11200;
	s17 =	simm.s32 $0x11A00;
	s18 =	simm.s32 $0x12200  }
0x1c: {  	s19 =	simm.s32 $0x12A00;
	s20 =	simm.s32 $0x13200;
	s21 =	simm.s32 $0x13A00  }
0x1d: {  	s22 =	simm.s32 $0x14200;
	s23 =	simm.s32 $0x14A00;
	[dreg:$0x1c] =	wrdreg s25  }
0x1e: {  	s6 =	sadd.s32 s7, s6;
	s4 =	sadd.s32 s4, s5;
	[dreg:$0x1d] =	wrdreg s26  }
0x1f: {  	s5 =	simm.s32 $0x2200;
	s7 =	simm.s32 $0x3200;
	[dreg:$0x4] =	wrdreg s4  }
0x20: {  	s25 =	simm.s32 $0x15A00;
	s26 =	simm.s32 $0x16200;
	[dreg:$0x9] =	wrdreg s5  }
0x21: {  	s24 =	sadd.s32 $0xC6C00, s6;
	s6 =	simm.s32 $0x2A00;
	[dreg:$0xb] =	wrdreg s7  }
0x22: {  	v2 =	vlaneseq.u32;
	s4 =	smax.u32 s2, $0x1;
	s5 =	simm.s32 $0x2;
	[dreg:$0x5] =	wrdreg s24  }
0x23: {  	vm0 =	vmmov $0xffff;
	v1 =	vshrl.u32 v2, $0x3;
	s2 =	simm.s32 $0x1;
	[dreg:$0xa] =	wrdreg s6;
	s24 =	simm.s32 $0xB200  }
0x24: {  	v0 =	vand.u32 $0x7, v2;
	v2 =	vor.u32 $0x8, v2;
	v1 =	vmul.u32 $0x8, v1;
	s6 =	simm.s32 $0x200;
	[dreg:$0x1b] =	wrdreg s24;
	s24 =	simm.s32 $0x15200  }
.LBB2_1:
0x25: {  	s0 =	rddreg [dreg:$0x4]  }
0x26: {  	[tilespmem:s3], [sflag:$0x2] =	stream.linear.gather [hbm4b:s0+s3], $0x188, $0x38;
	[tilespmem:$0x18A00] =	vst v63  }
0x27: {  	_ =	swait.ge [sflag:s5], $0x188  }
0x28: {  	[sflag:s5] =	ssyncset.done $0x0  }
0x29: {  	[sflag:s5] =	ssyncadd.s32 $0xFFFFFE78  }
0x2a: {  	v3 =	vld [tilespmem:$0x0];
	_ =	sdelay $0x4  }
0x2b: {  	v4 =	vshll.u32 v3, $0x1  }
0x2c: {  	v3 =	vand.u32 $0x7, v3;
	v4 =	vand.u32 $0xFFFFFFF0, v4  }
0x2d: {  	v3 =	vor.u32 v3, v4  }
0x2e: {  	v4 =	vperm.xlane v3, v0;
	_ =	sdelay $0x1  }
0x2f: {  	v3 =	vperm.xlane v3, v2;
	v4 =	vadd.s32 v1, v4;
	_ =	sdelay $0x1  }
0x30: {  	v3 =	vadd.s32 v1, v3;
	_ =	sdelay $0x2  }
0x31: {  	[tilespmem:s6], [sflag:$0x1] =	stream.indirect_vreg.gather [hbm4b:s1+s3], $0x80, v4, vm0, $0xb8;
	[tilespmem:$0x18A00] =	vst v63  }
0x32: {  	s7 =	rddreg [dreg:$0x6]  }
0x33: {  	[tilespmem:s7], [sflag:$0x1] =	stream.indirect_vreg.gather [hbm4b:s1+s3], $0x80, v3, vm0, $0xb8;
	[tilespmem:$0x18A00] =	vst v63  }
0x34: {  	v3 =	vld [tilespmem:$0x10];
	_ =	sdelay $0x4  }
0x35: {  	v40 =	vshll.u32 v3, $0x1  }
0x36: {  	v3 =	vand.u32 $0x7, v3;
	v4 =	vand.u32 $0xFFFFFFF0, v40  }
0x37: {  	v3 =	vor.u32 v3, v4  }
0x38: {  	v4 =	vperm.xlane v3, v0;
	_ =	sdelay $0x1  }
0x39: {  	v3 =	vperm.xlane v3, v2;
	v4 =	vadd.s32 v1, v4;
	_ =	sdelay $0x1  }
0x3a: {  	v3 =	vadd.s32 v1, v3;
	_ =	sdelay $0x1  }
0x3b: {  	s0 =	rddreg [dreg:$0x7]  }
0x3c: {  	[tilespmem:s0], [sflag:$0x1] =	stream.indirect_vreg.gather [hbm4b:s1+s3], $0x80, v4, vm0, $0xb8;
	[tilespmem:$0x18A00] =	vst v63  }
0x3d: {  	s7 =	rddreg [dreg:$0x8]  }
0x3e: {  	[tilespmem:s7], [sflag:$0x1] =	stream.indirect_vreg.gather [hbm4b:s1+s3], $0x80, v3, vm0, $0xb8;
	[tilespmem:$0x18A00] =	vst v63  }
0x3f: {  	v3 =	vld [tilespmem:$0x20];
	_ =	sdelay $0x4  }
0x40: {  	v41 =	vshll.u32 v3, $0x1  }
0x41: {  	v3 =	vand.u32 $0x7, v3;
	v4 =	vand.u32 $0xFFFFFFF0, v41  }
0x42: {  	v3 =	vor.u32 v3, v4  }
0x43: {  	v4 =	vperm.xlane v3, v0;
	_ =	sdelay $0x1  }
0x44: {  	v3 =	vperm.xlane v3, v2;
	v4 =	vadd.s32 v1, v4;
	_ =	sdelay $0x1  }
0x45: {  	v3 =	vadd.s32 v1, v3;
	_ =	sdelay $0x1  }
0x46: {  	s0 =	rddreg [dreg:$0x9]  }
0x47: {  	[tilespmem:s0], [sflag:$0x1] =	stream.indirect_vreg.gather [hbm4b:s1+s3], $0x80, v4, vm0, $0xb8;
	[tilespmem:$0x18A00] =	vst v63  }
0x48: {  	s7 =	rddreg [dreg:$0xa]  }
0x49: {  	[tilespmem:s7], [sflag:$0x1] =	stream.indirect_vreg.gather [hbm4b:s1+s3], $0x80, v3, vm0, $0xb8;
	[tilespmem:$0x18A00] =	vst v63  }
0x4a: {  	v3 =	vld [tilespmem:$0x30];
	_ =	sdelay $0x4  }
0x4b: {  	v42 =	vshll.u32 v3, $0x1  }
0x4c: {  	v3 =	vand.u32 $0x7, v3;
	v4 =	vand.u32 $0xFFFFFFF0, v42  }
0x4d: {  	v3 =	vor.u32 v3, v4  }
0x4e: {  	v4 =	vperm.xlane v3, v0;
	_ =	sdelay $0x1  }
0x4f: {  	v3 =	vperm.xlane v3, v2;
	v4 =	vadd.s32 v1, v4;
	_ =	sdelay $0x1  }
0x50: {  	v3 =	vadd.s32 v1, v3;
	_ =	sdelay $0x1  }
0x51: {  	s0 =	rddreg [dreg:$0xb]  }
0x52: {  	[tilespmem:s0], [sflag:$0x1] =	stream.indirect_vreg.gather [hbm4b:s1+s3], $0x80, v4, vm0, $0xb8;
	[tilespmem:$0x18A00] =	vst v63  }
0x53: {  	s7 =	rddreg [dreg:$0xc]  }
0x54: {  	[tilespmem:s7], [sflag:$0x1] =	stream.indirect_vreg.gather [hbm4b:s1+s3], $0x80, v3, vm0, $0xb8;
	[tilespmem:$0x18A00] =	vst v63  }
0x55: {  	v3 =	vld [tilespmem:$0x40];
	_ =	sdelay $0x4  }
0x56: {  	v43 =	vshll.u32 v3, $0x1  }
0x57: {  	v3 =	vand.u32 $0x7, v3;
	v4 =	vand.u32 $0xFFFFFFF0, v43  }
0x58: {  	v3 =	vor.u32 v3, v4  }
0x59: {  	v4 =	vperm.xlane v3, v0;
	_ =	sdelay $0x1  }
0x5a: {  	v3 =	vperm.xlane v3, v2;
	v4 =	vadd.s32 v1, v4;
	_ =	sdelay $0x1  }
0x5b: {  	v3 =	vadd.s32 v1, v3;
	_ =	sdelay $0x1  }
0x5c: {  	s0 =	rddreg [dreg:$0xd]  }
0x5d: {  	[tilespmem:s0], [sflag:$0x1] =	stream.indirect_vreg.gather [hbm4b:s1+s3], $0x80, v4, vm0, $0xb8;
	[tilespmem:$0x18A00] =	vst v63  }
0x5e: {  	s7 =	rddreg [dreg:$0xe]  }
0x5f: {  	[tilespmem:s7], [sflag:$0x1] =	stream.indirect_vreg.gather [hbm4b:s1+s3], $0x80, v3, vm0, $0xb8;
	[tilespmem:$0x18A00] =	vst v63  }
0x60: {  	v3 =	vld [tilespmem:$0x50];
	_ =	sdelay $0x4  }
0x61: {  	v44 =	vshll.u32 v3, $0x1  }
0x62: {  	v3 =	vand.u32 $0x7, v3;
	v4 =	vand.u32 $0xFFFFFFF0, v44  }
0x63: {  	v3 =	vor.u32 v3, v4  }
0x64: {  	v4 =	vperm.xlane v3, v0;
	_ =	sdelay $0x1  }
0x65: {  	v3 =	vperm.xlane v3, v2;
	v4 =	vadd.s32 v1, v4;
	_ =	sdelay $0x1  }
0x66: {  	v3 =	vadd.s32 v1, v3;
	_ =	sdelay $0x1  }
0x67: {  	s0 =	rddreg [dreg:$0xf]  }
0x68: {  	[tilespmem:s0], [sflag:$0x1] =	stream.indirect_vreg.gather [hbm4b:s1+s3], $0x80, v4, vm0, $0xb8;
	[tilespmem:$0x18A00] =	vst v63  }
0x69: {  	s7 =	rddreg [dreg:$0x10]  }
0x6a: {  	[tilespmem:s7], [sflag:$0x1] =	stream.indirect_vreg.gather [hbm4b:s1+s3], $0x80, v3, vm0, $0xb8;
	[tilespmem:$0x18A00] =	vst v63  }
0x6b: {  	v3 =	vld [tilespmem:$0x60];
	_ =	sdelay $0x4  }
0x6c: {  	v45 =	vshll.u32 v3, $0x1  }
0x6d: {  	v3 =	vand.u32 $0x7, v3;
	v4 =	vand.u32 $0xFFFFFFF0, v45  }
0x6e: {  	v3 =	vor.u32 v3, v4  }
0x6f: {  	v4 =	vperm.xlane v3, v0;
	_ =	sdelay $0x1  }
0x70: {  	v3 =	vperm.xlane v3, v2;
	v4 =	vadd.s32 v1, v4;
	_ =	sdelay $0x1  }
0x71: {  	v3 =	vadd.s32 v1, v3;
	_ =	sdelay $0x1  }
0x72: {  	s0 =	rddreg [dreg:$0x11]  }
0x73: {  	[tilespmem:s0], [sflag:$0x1] =	stream.indirect_vreg.gather [hbm4b:s1+s3], $0x80, v4, vm0, $0xb8;
	[tilespmem:$0x18A00] =	vst v63  }
0x74: {  	s7 =	rddreg [dreg:$0x12]  }
0x75: {  	[tilespmem:s7], [sflag:$0x1] =	stream.indirect_vreg.gather [hbm4b:s1+s3], $0x80, v3, vm0, $0xb8;
	[tilespmem:$0x18A00] =	vst v63  }
0x76: {  	v3 =	vld [tilespmem:$0x70];
	_ =	sdelay $0x4  }
0x77: {  	v46 =	vshll.u32 v3, $0x1  }
0x78: {  	v3 =	vand.u32 $0x7, v3;
	v4 =	vand.u32 $0xFFFFFFF0, v46  }
0x79: {  	v3 =	vor.u32 v3, v4  }
0x7a: {  	v4 =	vperm.xlane v3, v0;
	_ =	sdelay $0x1  }
0x7b: {  	v3 =	vperm.xlane v3, v2;
	v4 =	vadd.s32 v1, v4;
	_ =	sdelay $0x1  }
0x7c: {  	v3 =	vadd.s32 v1, v3;
	_ =	sdelay $0x1  }
0x7d: {  	s0 =	rddreg [dreg:$0x13]  }
0x7e: {  	[tilespmem:s0], [sflag:$0x1] =	stream.indirect_vreg.gather [hbm4b:s1+s3], $0x80, v4, vm0, $0xb8;
	[tilespmem:$0x18A00] =	vst v63  }
0x7f: {  	s7 =	rddreg [dreg:$0x14]  }
0x80: {  	[tilespmem:s7], [sflag:$0x1] =	stream.indirect_vreg.gather [hbm4b:s1+s3], $0x80, v3, vm0, $0xb8;
	[tilespmem:$0x18A00] =	vst v63  }
0x81: {  	v3 =	vld [tilespmem:$0x80];
	_ =	sdelay $0x4  }
0x82: {  	v47 =	vshll.u32 v3, $0x1  }
0x83: {  	v3 =	vand.u32 $0x7, v3;
	v4 =	vand.u32 $0xFFFFFFF0, v47  }
0x84: {  	v3 =	vor.u32 v3, v4  }
0x85: {  	v4 =	vperm.xlane v3, v0;
	_ =	sdelay $0x1  }
0x86: {  	v3 =	vperm.xlane v3, v2;
	v4 =	vadd.s32 v1, v4;
	_ =	sdelay $0x1  }
0x87: {  	v3 =	vadd.s32 v1, v3;
	_ =	sdelay $0x1  }
0x88: {  	s0 =	rddreg [dreg:$0x15]  }
0x89: {  	[tilespmem:s0], [sflag:$0x1] =	stream.indirect_vreg.gather [hbm4b:s1+s3], $0x80, v4, vm0, $0xb8;
	[tilespmem:$0x18A00] =	vst v63  }
0x8a: {  	s7 =	rddreg [dreg:$0x16]  }
0x8b: {  	[tilespmem:s7], [sflag:$0x1] =	stream.indirect_vreg.gather [hbm4b:s1+s3], $0x80, v3, vm0, $0xb8;
	[tilespmem:$0x18A00] =	vst v63  }
0x8c: {  	v3 =	vld [tilespmem:$0x90];
	_ =	sdelay $0x4  }
0x8d: {  	v48 =	vshll.u32 v3, $0x1  }
0x8e: {  	v3 =	vand.u32 $0x7, v3;
	v4 =	vand.u32 $0xFFFFFFF0, v48  }
0x8f: {  	v3 =	vor.u32 v3, v4  }
0x90: {  	v4 =	vperm.xlane v3, v0;
	_ =	sdelay $0x1  }
0x91: {  	v3 =	vperm.xlane v3, v2;
	v4 =	vadd.s32 v1, v4;
	_ =	sdelay $0x1  }
0x92: {  	v3 =	vadd.s32 v1, v3;
	_ =	sdelay $0x1  }
0x93: {  	s0 =	rddreg [dreg:$0x17]  }
0x94: {  	[tilespmem:s0], [sflag:$0x1] =	stream.indirect_vreg.gather [hbm4b:s1+s3], $0x80, v4, vm0, $0xb8;
	[tilespmem:$0x18A00] =	vst v63  }
0x95: {  	s7 =	rddreg [dreg:$0x18]  }
0x96: {  	[tilespmem:s7], [sflag:$0x1] =	stream.indirect_vreg.gather [hbm4b:s1+s3], $0x80, v3, vm0, $0xb8;
	[tilespmem:$0x18A00] =	vst v63  }
0x97: {  	v3 =	vld [tilespmem:$0xA0];
	_ =	sdelay $0x4  }
0x98: {  	v49 =	vshll.u32 v3, $0x1  }
0x99: {  	v3 =	vand.u32 $0x7, v3;
	v4 =	vand.u32 $0xFFFFFFF0, v49  }
0x9a: {  	v3 =	vor.u32 v3, v4  }
0x9b: {  	v4 =	vperm.xlane v3, v0;
	_ =	sdelay $0x1  }
0x9c: {  	v3 =	vperm.xlane v3, v2;
	v4 =	vadd.s32 v1, v4;
	_ =	sdelay $0x1  }
0x9d: {  	v3 =	vadd.s32 v1, v3;
	_ =	sdelay $0x1  }
0x9e: {  	s0 =	rddreg [dreg:$0x19]  }
0x9f: {  	[tilespmem:s0], [sflag:$0x1] =	stream.indirect_vreg.gather [hbm4b:s1+s3], $0x80, v4, vm0, $0xb8;
	[tilespmem:$0x18A00] =	vst v63  }
0xa0: {  	s7 =	rddreg [dreg:$0x1a]  }
0xa1: {  	[tilespmem:s7], [sflag:$0x1] =	stream.indirect_vreg.gather [hbm4b:s1+s3], $0x80, v3, vm0, $0xb8;
	[tilespmem:$0x18A00] =	vst v63  }
0xa2: {  	v3 =	vld [tilespmem:$0xB0];
	_ =	sdelay $0x4  }
0xa3: {  	v50 =	vshll.u32 v3, $0x1  }
0xa4: {  	v3 =	vand.u32 $0x7, v3;
	v4 =	vand.u32 $0xFFFFFFF0, v50  }
0xa5: {  	v3 =	vor.u32 v3, v4  }
0xa6: {  	v4 =	vperm.xlane v3, v0;
	_ =	sdelay $0x1  }
0xa7: {  	v3 =	vperm.xlane v3, v2;
	v4 =	vadd.s32 v1, v4;
	_ =	sdelay $0x1  }
0xa8: {  	v3 =	vadd.s32 v1, v3;
	_ =	sdelay $0x1  }
0xa9: {  	s0 =	rddreg [dreg:$0x1b]  }
0xaa: {  	[tilespmem:s0], [sflag:$0x1] =	stream.indirect_vreg.gather [hbm4b:s1+s3], $0x80, v4, vm0, $0xb8;
	[tilespmem:$0x18A00] =	vst v63  }
0xab: {  	s7 =	rddreg [dreg:$0x1c]  }
0xac: {  	[tilespmem:s7], [sflag:$0x1] =	stream.indirect_vreg.gather [hbm4b:s1+s3], $0x80, v3, vm0, $0xb8;
	[tilespmem:$0x18A00] =	vst v63  }
0xad: {  	v3 =	vld [tilespmem:$0xC0];
	_ =	sdelay $0x4  }
0xae: {  	v51 =	vshll.u32 v3, $0x1  }
0xaf: {  	v3 =	vand.u32 $0x7, v3;
	v4 =	vand.u32 $0xFFFFFFF0, v51  }
0xb0: {  	v3 =	vor.u32 v3, v4  }
0xb1: {  	v4 =	vperm.xlane v3, v0;
	_ =	sdelay $0x1  }
0xb2: {  	v3 =	vperm.xlane v3, v2;
	v4 =	vadd.s32 v1, v4;
	_ =	sdelay $0x1  }
0xb3: {  	v3 =	vadd.s32 v1, v3;
	_ =	sdelay $0x1  }
0xb4: {  	s7 =	rddreg [dreg:$0x1d]  }
0xb5: {  	[tilespmem:s7], [sflag:$0x1] =	stream.indirect_vreg.gather [hbm4b:s1+s3], $0x80, v4, vm0, $0xb8;
	[tilespmem:$0x18A00] =	vst v63  }
0xb6: {  	s7 =	simm.s32 $0xCA00  }
0xb7: {  	[tilespmem:s7], [sflag:$0x1] =	stream.indirect_vreg.gather [hbm4b:s1+s3], $0x80, v3, vm0, $0xb8;
	[tilespmem:$0x18A00] =	vst v63  }
0xb8: {  	v3 =	vld [tilespmem:$0xD0];
	_ =	sdelay $0x4  }
0xb9: {  	v52 =	vshll.u32 v3, $0x1  }
0xba: {  	v3 =	vand.u32 $0x7, v3;
	v4 =	vand.u32 $0xFFFFFFF0, v52  }
0xbb: {  	v3 =	vor.u32 v3, v4  }
0xbc: {  	v4 =	vperm.xlane v3, v0;
	_ =	sdelay $0x1  }
0xbd: {  	v3 =	vperm.xlane v3, v2;
	v4 =	vadd.s32 v1, v4;
	_ =	sdelay $0x1  }
0xbe: {  	v3 =	vadd.s32 v1, v3;
	_ =	sdelay $0x2  }
0xbf: {  	[tilespmem:s8], [sflag:$0x1] =	stream.indirect_vreg.gather [hbm4b:s1+s3], $0x80, v4, vm0, $0xb8;
	[tilespmem:$0x18A00] =	vst v63  }
0xc0: {  	_ = 	snop  }
0xc1: {  	[tilespmem:s9], [sflag:$0x1] =	stream.indirect_vreg.gather [hbm4b:s1+s3], $0x80, v3, vm0, $0xb8;
	[tilespmem:$0x18A00] =	vst v63  }
0xc2: {  	v3 =	vld [tilespmem:$0xE0];
	_ =	sdelay $0x4  }
0xc3: {  	v53 =	vshll.u32 v3, $0x1  }
0xc4: {  	v3 =	vand.u32 $0x7, v3;
	v4 =	vand.u32 $0xFFFFFFF0, v53  }
0xc5: {  	v3 =	vor.u32 v3, v4  }
0xc6: {  	v4 =	vperm.xlane v3, v0;
	_ =	sdelay $0x1  }
0xc7: {  	v3 =	vperm.xlane v3, v2;
	v4 =	vadd.s32 v1, v4;
	_ =	sdelay $0x1  }
0xc8: {  	v3 =	vadd.s32 v1, v3;
	_ =	sdelay $0x2  }
0xc9: {  	[tilespmem:s10], [sflag:$0x1] =	stream.indirect_vreg.gather [hbm4b:s1+s3], $0x80, v4, vm0, $0xb8;
	[tilespmem:$0x18A00] =	vst v63  }
0xca: {  	_ = 	snop  }
0xcb: {  	[tilespmem:s11], [sflag:$0x1] =	stream.indirect_vreg.gather [hbm4b:s1+s3], $0x80, v3, vm0, $0xb8;
	[tilespmem:$0x18A00] =	vst v63  }
0xcc: {  	v3 =	vld [tilespmem:$0xF0];
	_ =	sdelay $0x4  }
0xcd: {  	v54 =	vshll.u32 v3, $0x1  }
0xce: {  	v3 =	vand.u32 $0x7, v3;
	v4 =	vand.u32 $0xFFFFFFF0, v54  }
0xcf: {  	v3 =	vor.u32 v3, v4  }
0xd0: {  	v4 =	vperm.xlane v3, v0;
	_ =	sdelay $0x1  }
0xd1: {  	v3 =	vperm.xlane v3, v2;
	v4 =	vadd.s32 v1, v4;
	_ =	sdelay $0x1  }
0xd2: {  	v3 =	vadd.s32 v1, v3;
	_ =	sdelay $0x2  }
0xd3: {  	[tilespmem:s12], [sflag:$0x1] =	stream.indirect_vreg.gather [hbm4b:s1+s3], $0x80, v4, vm0, $0xb8;
	[tilespmem:$0x18A00] =	vst v63  }
0xd4: {  	_ = 	snop  }
0xd5: {  	[tilespmem:s13], [sflag:$0x1] =	stream.indirect_vreg.gather [hbm4b:s1+s3], $0x80, v3, vm0, $0xb8;
	[tilespmem:$0x18A00] =	vst v63  }
0xd6: {  	v3 =	vld [tilespmem:$0x100];
	_ =	sdelay $0x4  }
0xd7: {  	v55 =	vshll.u32 v3, $0x1  }
0xd8: {  	v3 =	vand.u32 $0x7, v3;
	v4 =	vand.u32 $0xFFFFFFF0, v55  }
0xd9: {  	v3 =	vor.u32 v3, v4  }
0xda: {  	v4 =	vperm.xlane v3, v0;
	_ =	sdelay $0x1  }
0xdb: {  	v3 =	vperm.xlane v3, v2;
	v4 =	vadd.s32 v1, v4;
	_ =	sdelay $0x1  }
0xdc: {  	v3 =	vadd.s32 v1, v3;
	_ =	sdelay $0x2  }
0xdd: {  	[tilespmem:s14], [sflag:$0x1] =	stream.indirect_vreg.gather [hbm4b:s1+s3], $0x80, v4, vm0, $0xb8;
	[tilespmem:$0x18A00] =	vst v63  }
0xde: {  	_ = 	snop  }
0xdf: {  	[tilespmem:s15], [sflag:$0x1] =	stream.indirect_vreg.gather [hbm4b:s1+s3], $0x80, v3, vm0, $0xb8;
	[tilespmem:$0x18A00] =	vst v63  }
0xe0: {  	v3 =	vld [tilespmem:$0x110];
	_ =	sdelay $0x4  }
0xe1: {  	v56 =	vshll.u32 v3, $0x1  }
0xe2: {  	v3 =	vand.u32 $0x7, v3;
	v4 =	vand.u32 $0xFFFFFFF0, v56  }
0xe3: {  	v3 =	vor.u32 v3, v4  }
0xe4: {  	v4 =	vperm.xlane v3, v0;
	_ =	sdelay $0x1  }
0xe5: {  	v3 =	vperm.xlane v3, v2;
	v4 =	vadd.s32 v1, v4;
	_ =	sdelay $0x1  }
0xe6: {  	v3 =	vadd.s32 v1, v3;
	_ =	sdelay $0x2  }
0xe7: {  	[tilespmem:s16], [sflag:$0x1] =	stream.indirect_vreg.gather [hbm4b:s1+s3], $0x80, v4, vm0, $0xb8;
	[tilespmem:$0x18A00] =	vst v63  }
0xe8: {  	_ = 	snop  }
0xe9: {  	[tilespmem:s17], [sflag:$0x1] =	stream.indirect_vreg.gather [hbm4b:s1+s3], $0x80, v3, vm0, $0xb8;
	[tilespmem:$0x18A00] =	vst v63  }
0xea: {  	v3 =	vld [tilespmem:$0x120];
	_ =	sdelay $0x4  }
0xeb: {  	v57 =	vshll.u32 v3, $0x1  }
0xec: {  	v3 =	vand.u32 $0x7, v3;
	v4 =	vand.u32 $0xFFFFFFF0, v57  }
0xed: {  	v3 =	vor.u32 v3, v4  }
0xee: {  	v4 =	vperm.xlane v3, v0;
	_ =	sdelay $0x1  }
0xef: {  	v3 =	vperm.xlane v3, v2;
	v4 =	vadd.s32 v1, v4;
	_ =	sdelay $0x1  }
0xf0: {  	v3 =	vadd.s32 v1, v3;
	_ =	sdelay $0x2  }
0xf1: {  	[tilespmem:s18], [sflag:$0x1] =	stream.indirect_vreg.gather [hbm4b:s1+s3], $0x80, v4, vm0, $0xb8;
	[tilespmem:$0x18A00] =	vst v63  }
0xf2: {  	_ = 	snop  }
0xf3: {  	[tilespmem:s19], [sflag:$0x1] =	stream.indirect_vreg.gather [hbm4b:s1+s3], $0x80, v3, vm0, $0xb8;
	[tilespmem:$0x18A00] =	vst v63  }
0xf4: {  	v3 =	vld [tilespmem:$0x130];
	_ =	sdelay $0x4  }
0xf5: {  	v58 =	vshll.u32 v3, $0x1  }
0xf6: {  	v3 =	vand.u32 $0x7, v3;
	v4 =	vand.u32 $0xFFFFFFF0, v58  }
0xf7: {  	v3 =	vor.u32 v3, v4  }
0xf8: {  	v4 =	vperm.xlane v3, v0;
	_ =	sdelay $0x1  }
0xf9: {  	v3 =	vperm.xlane v3, v2;
	v4 =	vadd.s32 v1, v4;
	_ =	sdelay $0x1  }
0xfa: {  	v3 =	vadd.s32 v1, v3;
	_ =	sdelay $0x2  }
0xfb: {  	[tilespmem:s20], [sflag:$0x1] =	stream.indirect_vreg.gather [hbm4b:s1+s3], $0x80, v4, vm0, $0xb8;
	[tilespmem:$0x18A00] =	vst v63  }
0xfc: {  	_ = 	snop  }
0xfd: {  	[tilespmem:s21], [sflag:$0x1] =	stream.indirect_vreg.gather [hbm4b:s1+s3], $0x80, v3, vm0, $0xb8;
	[tilespmem:$0x18A00] =	vst v63  }
0xfe: {  	v3 =	vld [tilespmem:$0x140];
	_ =	sdelay $0x4  }
0xff: {  	v59 =	vshll.u32 v3, $0x1  }
0x100: {  	v3 =	vand.u32 $0x7, v3;
	v4 =	vand.u32 $0xFFFFFFF0, v59  }
0x101: {  	v3 =	vor.u32 v3, v4  }
0x102: {  	v4 =	vperm.xlane v3, v0;
	_ =	sdelay $0x1  }
0x103: {  	v3 =	vperm.xlane v3, v2;
	v4 =	vadd.s32 v1, v4;
	_ =	sdelay $0x1  }
0x104: {  	v3 =	vadd.s32 v1, v3;
	_ =	sdelay $0x2  }
0x105: {  	[tilespmem:s22], [sflag:$0x1] =	stream.indirect_vreg.gather [hbm4b:s1+s3], $0x80, v4, vm0, $0xb8;
	[tilespmem:$0x18A00] =	vst v63  }
0x106: {  	_ = 	snop  }
0x107: {  	[tilespmem:s23], [sflag:$0x1] =	stream.indirect_vreg.gather [hbm4b:s1+s3], $0x80, v3, vm0, $0xb8;
	[tilespmem:$0x18A00] =	vst v63  }
0x108: {  	v3 =	vld [tilespmem:$0x150];
	_ =	sdelay $0x4  }
0x109: {  	v60 =	vshll.u32 v3, $0x1  }
0x10a: {  	v3 =	vand.u32 $0x7, v3;
	v4 =	vand.u32 $0xFFFFFFF0, v60  }
0x10b: {  	v3 =	vor.u32 v3, v4  }
0x10c: {  	v4 =	vperm.xlane v3, v0;
	_ =	sdelay $0x1  }
0x10d: {  	v3 =	vperm.xlane v3, v2;
	v4 =	vadd.s32 v1, v4;
	_ =	sdelay $0x1  }
0x10e: {  	v3 =	vadd.s32 v1, v3;
	_ =	sdelay $0x2  }
0x10f: {  	[tilespmem:s24], [sflag:$0x1] =	stream.indirect_vreg.gather [hbm4b:s1+s3], $0x80, v4, vm0, $0xb8;
	[tilespmem:$0x18A00] =	vst v63  }
0x110: {  	_ = 	snop  }
0x111: {  	[tilespmem:s25], [sflag:$0x1] =	stream.indirect_vreg.gather [hbm4b:s1+s3], $0x80, v3, vm0, $0xb8;
	[tilespmem:$0x18A00] =	vst v63  }
0x112: {  	v3 =	vld [tilespmem:$0x160];
	_ =	sdelay $0x4  }
0x113: {  	v61 =	vshll.u32 v3, $0x1  }
0x114: {  	v3 =	vand.u32 $0x7, v3;
	v4 =	vand.u32 $0xFFFFFFF0, v61  }
0x115: {  	v3 =	vor.u32 v3, v4  }
0x116: {  	v4 =	vperm.xlane v3, v0;
	_ =	sdelay $0x1  }
0x117: {  	v3 =	vperm.xlane v3, v2;
	v4 =	vadd.s32 v1, v4;
	_ =	sdelay $0x1  }
0x118: {  	v3 =	vadd.s32 v1, v3;
	_ =	sdelay $0x2  }
0x119: {  	[tilespmem:s26], [sflag:$0x1] =	stream.indirect_vreg.gather [hbm4b:s1+s3], $0x80, v4, vm0, $0xb8;
	[tilespmem:$0x18A00] =	vst v63  }
0x11a: {  	_ = 	snop  }
0x11b: {  	[tilespmem:s28], [sflag:$0x1] =	stream.indirect_vreg.gather [hbm4b:s1+s3], $0x80, v3, vm0, $0xb8;
	[tilespmem:$0x18A00] =	vst v63  }
0x11c: {  	v3 =	vld [tilespmem:$0x170];
	_ =	sdelay $0x4  }
0x11d: {  	v62 =	vshll.u32 v3, $0x1  }
0x11e: {  	v3 =	vand.u32 $0x7, v3;
	v4 =	vand.u32 $0xFFFFFFF0, v62  }
0x11f: {  	v3 =	vor.u32 v3, v4  }
0x120: {  	v4 =	vperm.xlane v3, v0;
	_ =	sdelay $0x1  }
0x121: {  	v3 =	vperm.xlane v3, v2;
	v4 =	vadd.s32 v1, v4;
	_ =	sdelay $0x1  }
0x122: {  	v3 =	vadd.s32 v1, v3;
	_ =	sdelay $0x2  }
0x123: {  	[tilespmem:s29], [sflag:$0x1] =	stream.indirect_vreg.gather [hbm4b:s1+s3], $0x80, v4, vm0, $0xb8;
	[tilespmem:$0x18A00] =	vst v63  }
0x124: {  	_ = 	snop  }
0x125: {  	[tilespmem:s30], [sflag:$0x1] =	stream.indirect_vreg.gather [hbm4b:s1+s3], $0x80, v3, vm0, $0xb8;
	[tilespmem:$0x18A00] =	vst v63  }
0x126: {  	v3 =	vld.msk [tilespmem:$0x180], $0xff;
	_ =	sdelay $0x4  }
0x127: {  	v63 =	vshll.u32 v3, $0x1  }
0x128: {  	v3 =	vand.u32 $0x7, v3;
	v4 =	vand.u32 $0xFFFFFFF0, v63  }
0x129: {  	v3 =	vor.u32 v3, v4  }
0x12a: {  	v3 =	vperm.xlane v3, v0;
	_ =	sdelay $0x1  }
0x12b: {  	v3 =	vadd.s32 v1, v3;
	_ =	sdelay $0x4  }
0x12c: {  	[tilespmem:s31], [sflag:$0x1] =	stream.indirect_vreg.gather [hbm4b:s1+s3], $0x80, v3, vm0, $0xb8;
	[tilespmem:$0x18A00] =	vst v63  }
0x12d: {  	_ =	swait.ge [sflag:s2], $0x18800  }
0x12e: {  	p0 =	sne.s32 s4, $0x1;
	[sflag:s2] =	ssyncset.done $0x0  }
.Ltmp0:
0x12f: {  	s7 =	rddreg [dreg:$0x5];
	[sflag:s2] =	ssyncadd.s32 $0xFFFE7800;
	(pc) =	sbr.rel @p0 .LBB2_1-.Ltmp0, $4  }
0x130: {  	[hbm4b:s7+s3] =	stream.linear.scatter [tilespmem:s6], [sflag:$0x2], $0x18800, $0x38;
	[tilespmem:$0x18A00] =	vst v63  }
0x131: {  	_ =	swait.ge [sflag:s5], $0x18800  }
0x132: {  	[sflag:s5] =	ssyncset.done $0x0  }
0x133: {  	s4 =	sadd.s32 $0xFFFFFFFF, s4;
	[sflag:s5] =	ssyncadd.s32 $0xFFFE7800  }
0x134: {  	_ =	sfence.sel $0x180000  }
0x135: {  	[bflag:$0x0] =	sbarrier.arrive $0xFFFF  }
0x136: {  	_ =	strace $0x9000004A  }
0x137: {  	s0 =	stileid.u32;
	[bflag:$0x2] =	sbarrier.arrive $0xFFFF  }
0x138: {  	p0 =	sne.s32 s0, $0x0;
	s0 =	rddreg [dreg:$0x3]  }
0x139: {  	s0 =	sadd.s32 @!p0 $0x100000, s0  }
0x13a: {  	[sflag:s0] =	ssyncadd.tile.s32 @!p0 $0x1;
	_ =	shalt  }
.Lfunc_end2:
_tile_overlayer_lowered:
.L_overlay_start_2:
0x13b: {  	(tag) =	ssettag $0x2  }
0x13c: {  	s0 =	rddreg [dreg:$0x0];
	s2 =	stileid.u32  }
0x13d: {  	s1 =	rddreg [dreg:$0x1];
	p0 =	sne.s32 s2, $0x0  }
0x13e: {  	s3 =	rddreg [dreg:$0x2];
	[bflag:$0x3] =	sbarrier.arrive $0xFFFF;
	s2 =	simm.s32 @!p0 $0x1C02  }
0x13f: {  	[timem:s3], [sflag:s2] =	dma.local @!p0 [hbm:s0], s1  }
0x140: {  	s0 =	simm.s32 @!p0 $0x2  }
0x141: {  	_ =	swait.ge @!p0 [sflag:s0], s1  }
0x142: {  	s1 =	ssub.s32 @!p0 $0x0, s1;
	[sflag:s0] =	ssyncset.done @!p0 $0x0  }
0x143: {  	[sflag:s0] =	ssyncadd.s32 @!p0 s1  }
0x144: {  	[bflag:$0x3] =	sbarrier.arrive $0xFFFF  }
0x145: {  	_ =	shalt  }

// kernel: kernel.8.cloned.1.call-start
scs
__scs_entry_jumppad:
0x0: {  	(pc) =	sbr.rel $0x88, $3  }
0x1: {  	(tag) =	ssettag $0x0;
	lr =	simm.s32 $0x1  }
0x2: {  	[smem:$0x3F99] =	sst lr;
	_ =	strace $0xD0000000  }
0x3: {  	_ = 	snop  }
0x4: {  	_ = 	snop  }
0x5: {  	_ = 	snop  }
0x6: {  	_ = 	snop  }
0x7: {  	_ = 	snop  }
__scs_overlays_trampoline_lowered:
0x8: {  	[smem:$0x3FA8] =	sst s0  }
0x9: {  	[smem:$0x3FA9] =	sst s1  }
0xa: {  	[smem:$0x3FAA] =	sst s2  }
0xb: {  	[smem:$0x3FAB] =	sst s3  }
0xc: {  	[smem:$0x3FAC] =	sst s4  }
0xd: {  	[smem:$0x3FAD] =	sst s5  }
0xe: {  	[smem:$0x3FAE] =	sst s6  }
0xf: {  	[smem:$0x3FAF] =	sst s7  }
0x10: {  	[smem:$0x3FB0] =	sst s8  }
0x11: {  	[smem:$0x3FB1] =	sst s9;
	s0 =	simm.s32 @!p0 $0x0  }
0x12: {  	s1 =	sld [smem:$0x3F97];
	s0 =	simm.s32 @p0 $0x1  }
0x13: {  	[smem:$0x3FB2] =	sst s0;
	s0 =	simm.s32 @!p1 $0x0  }
0x14: {  	s2 =	sld [smem:$0x3F96];
	s0 =	simm.s32 @p1 $0x1  }
0x15: {  	[smem:$0x3FB3] =	sst s0;
	s0 =	simm.s32 @!p2 $0x0  }
0x16: {  	s3 =	sld [smem:$0x3FDB];
	s0 =	simm.s32 @p2 $0x1  }
0x17: {  	s4 =	simm.s32 $0x1BF5;
	[smem:$0x3FB5] =	sst s0  }
0x18: {  	s0 =	sld [smem:$0x3F98];
	_ =	swait.ge [sflag:s4], $0x0  }
0x19: {  	s7 =	sld [smem:$0x3F99]  }
0x1a: {  	s8 =	sadd.s32 $0xFFFFE003, lr  }
0x1b: {  	s9 =	sadd.s32 $0xFFFFFEF7, lr;
	s5 =	simm.s32 $0xFFFFFFFF;
	p2 =	slt.u32 s8, $0xFFFFF086  }
0x1c: {  	p1 =	slt.u32 s9, $0xF7A;
	s5 =	simm.s32 @!p2 $0x0  }
0x1d: {  	s5 =	simm.s32 @p1 $0x1;
	p0 =	seq.s32 s7, s2  }
0x1e: {  	s7 =	smul.u32 @!p0 $0xF7A, s2;
	p2 =	seq.s32 @!p0 s5, $0x0  }
0x1f: {  	s9 =	smul.u32 $0xF7A, s1;
	s8 =	simm.s32 @!p0 $0x1BF5;
	p2 =	por !p2, p0  }
0x20: {  	[sflag:s8] =	ssyncset.s32 @!p0 $0xFFFFF086;
	s6 =	sadd.s32 @!p0 s3, s7;
	s7 =	simm.s32 @!p0 $0x108  }
0x21: {  	s3 =	sadd.s32 s3, s9;
	s6 =	sadd.s32 @!p0 $0x88, s6;
	s7 =	simm.s32 @p2 $0x1082  }
0x22: {  	[simem:s7], [sflag:s8] =	dma.local @!p0 [hbm:s6], $0xF7A  }
0x23: {  	s9 =	sor.u32 $0xD0000000, s2;
	s6 =	simm.s32 $0x108;
	_ =	swait.ge @!p0 [sflag:s8], $0x0  }
0x24: {  	s3 =	sadd.s32 $0x88, s3;
	s6 =	simm.s32 @!p1 $0x1082;
	[sflag:s4] =	ssyncset.s32 $0xFFFFF086  }
0x25: {  	[simem:s6], [sflag:s4] =	dma.local [hbm:s3], $0xF7A  }
0x26: {  	[smem:$0x3F99] =	sst s1;
	(tag) =	ssettag s2;
	_ =	strace s9  }
0x27: {  	s1 =	sld [smem:$0x3FA9]  }
0x28: {  	s2 =	sld [smem:$0x3FAA]  }
0x29: {  	s4 =	sld [smem:$0x3FAC]  }
0x2a: {  	p0 =	seq.s32 s5, $0x0;
	s5 =	sld [smem:$0x3FAD]  }
0x2b: {  	s6 =	sld [smem:$0x3FAE]  }
0x2c: {  	s7 =	sld [smem:$0x3FAF]  }
0x2d: {  	s3 =	simm.s32 $0x108;
	s8 =	sld [smem:$0x3FB0]  }
0x2e: {  	s3 =	simm.s32 @!p0 $0x1082;
	s9 =	sld [smem:$0x3FB1]  }
0x2f: {  	lr =	sadd.s32 s0, s3;
	s0 =	sld [smem:$0x3FA8]  }
0x30: {  	s3 =	sld [smem:$0x3FAB]  }
0x31: {  	[smem:$0x3FB4] =	sst s10  }
0x32: {  	s10 =	sld [smem:$0x3FB2];
	_ =	sdelay $0x3  }
0x33: {  	p0 =	seq.s32 s10, $0x1;
	s10 =	sld [smem:$0x3FB4];
	_ =	sdelay $0x3  }
0x34: {  	[smem:$0x3FB4] =	sst s10  }
0x35: {  	s10 =	sld [smem:$0x3FB3];
	_ =	sdelay $0x3  }
0x36: {  	p1 =	seq.s32 s10, $0x1;
	s10 =	sld [smem:$0x3FB4];
	_ =	sdelay $0x3  }
0x37: {  	[smem:$0x3FB4] =	sst s10  }
0x38: {  	s10 =	sld [smem:$0x3FB5]  }
0x39: {  	_ = 	snop;
	(pc) =	sbr.ind lr, $3  }
0x3a: {  	_ = 	snop  }
0x3b: {  	_ = 	snop  }
0x3c: {  	p2 =	seq.s32 s10, $0x1;
	s10 =	sld [smem:$0x3FB4]  }
0x3d: {  	_ =	shalt  }
0x3e: {  	_ =	shalt  }
0x3f: {  	_ =	shalt  }
0x40: {  	_ =	shalt  }
0x41: {  	_ =	shalt  }
0x42: {  	_ =	shalt  }
0x43: {  	_ =	shalt  }
0x44: {  	_ =	shalt  }
0x45: {  	_ =	shalt  }
0x46: {  	_ =	shalt  }
0x47: {  	_ =	shalt  }
0x48: {  	_ =	shalt  }
0x49: {  	_ =	shalt  }
0x4a: {  	_ =	shalt  }
0x4b: {  	_ =	shalt  }
0x4c: {  	_ =	shalt  }
0x4d: {  	_ =	shalt  }
0x4e: {  	_ =	shalt  }
0x4f: {  	_ =	shalt  }
0x50: {  	_ =	shalt  }
0x51: {  	_ =	shalt  }
0x52: {  	_ =	shalt  }
0x53: {  	_ =	shalt  }
0x54: {  	_ =	shalt  }
0x55: {  	_ =	shalt  }
0x56: {  	_ =	shalt  }
0x57: {  	_ =	shalt  }
0x58: {  	_ =	shalt  }
0x59: {  	_ =	shalt  }
0x5a: {  	_ =	shalt  }
0x5b: {  	_ =	shalt  }
0x5c: {  	_ =	shalt  }
0x5d: {  	_ =	shalt  }
0x5e: {  	_ =	shalt  }
0x5f: {  	_ =	shalt  }
0x60: {  	_ =	shalt  }
0x61: {  	_ =	shalt  }
0x62: {  	_ =	shalt  }
0x63: {  	_ =	shalt  }
0x64: {  	_ =	shalt  }
0x65: {  	_ =	shalt  }
0x66: {  	_ =	shalt  }
0x67: {  	_ =	shalt  }
0x68: {  	_ =	shalt  }
0x69: {  	_ =	shalt  }
0x6a: {  	_ =	shalt  }
0x6b: {  	_ =	shalt  }
0x6c: {  	_ =	shalt  }
0x6d: {  	_ =	shalt  }
0x6e: {  	_ =	shalt  }
0x6f: {  	_ =	shalt  }
0x70: {  	_ =	shalt  }
0x71: {  	_ =	shalt  }
0x72: {  	_ =	shalt  }
0x73: {  	_ =	shalt  }
0x74: {  	_ =	shalt  }
0x75: {  	_ =	shalt  }
0x76: {  	_ =	shalt  }
0x77: {  	_ =	shalt  }
0x78: {  	_ =	shalt  }
0x79: {  	_ =	shalt  }
0x7a: {  	_ =	shalt  }
0x7b: {  	_ =	shalt  }
0x7c: {  	_ =	shalt  }
0x7d: {  	_ =	shalt  }
0x7e: {  	_ =	shalt  }
0x7f: {  	_ =	shalt  }
0x80: {  	_ =	shalt  }
0x81: {  	_ =	shalt  }
0x82: {  	_ =	shalt  }
0x83: {  	_ =	shalt  }
0x84: {  	_ =	shalt  }
0x85: {  	_ =	shalt  }
0x86: {  	_ =	shalt  }
0x87: {  	_ =	shalt  }
.Lfunc_end0:
.L_simem_size_0:
called_computation_lowered:
.L_overlay_start_0:
0x88: {  	s2 =	sld [smem:$0x3FD9]  }
0x89: {  	s3 =	sld [smem:$0x3FFE];
	_ =	sdelay $0x1  }
0x8a: {  	s1 =	srdreg.scid  }
0x8b: {  	s0 =	sand.u32 $0x1, s1  }
0x8c: {  	s17 =	sshll.u32 s0, $0xA;
	s2 =	sadd.s32 s3, s2  }
0x8d: {  	s2 =	sadd.s32 s2, s17  }
0x8e: {  	[smem:$0x3FC0] =	sst s2  }
0x8f: {  	_ = 	snop  }
0x90: {  	s2 =	sld [smem:$0x3FC2];
	(tm) =	ssettm $0x1  }
0x91: {  	s18 =	sld [smem:$0x3FFB];
	_ =	sdelay $0x3  }
0x92: {  	_ =	strace s18  }
0x93: {  	s3 =	sld [smem:$0x3FFC];
	_ =	sdelay $0x3  }
0x94: {  	_ =	strace s3  }
0x95: {  	s3 =	sld [smem:$0x3FFD];
	_ =	sdelay $0x3  }
0x96: {  	_ =	strace s3  }
0x97: {  	_ =	strace $0x8FFFFFFF  }
0x98: {  	s19 =	sld [smem:$0x3FDB];
	_ =	sdelay $0x1  }
0x99: {  	s4 =	simm.s32 $_scs_section_size  }
0x9a: {  	s5 =	simm.s32 $_size__tile_overlayer_lowered;
	s6 =	simm.s32 $_tile_overlayer_lowered  }
0x9b: {  	s22 =	simm.s32 $0x1BFF;
	s21 =	sshll.u32 s6, $0x1;
	s3 =	sadd.s32 s4, s19  }
0x9c: {  	s7 =	simm.s32 $0x0;
	s20 =	sshll.u32 s5, $0x1;
	s5 =	sadd.s32 s21, s3  }
0x9d: {  	[timem:s7], [sflag:s22] =	dma.local [hbm:s5], s20  }
0x9e: {  	_ =	swait.ge [sflag:s22], s20  }
0x9f: {  	s4 =	ssub.s32 $0x0, s20;
	[sflag:s22] =	ssyncset.done $0x0  }
0xa0: {  	[sflag:s22] =	ssyncadd.s32 s4;
	_ =	sdelay $0x1  }
0xa1: {  	s23 =	simm.s32 $0x1B8B  }
0xa2: {  	_ =	swait.ge [sflag:s23], $0x1  }
0xa3: {  	[sflag:s23] =	ssyncset.done $0x0  }
0xa4: {  	s25 =	simm.s32 $0x1B8E;
	s24 =	sld [smem:$0x3FFE];
	[sflag:s23] =	ssyncadd.s32 $0xFFFFFFFF  }
0xa5: {  	s26 =	simm.s32 $execute0_lowered;
	[smem:$0x3FD2] =	sst s25  }
0xa6: {  	s5 =	sshll.u32 s26, $0x1;
	_ =	strace $0x80000046;
	[dreg:$0x1] =	wrdreg $0xFFFFFFFF  }
0xa7: {  	s28 =	simm.s32 $_size_execute0_lowered;
	s3 =	sadd.s32 s3, s5;
	[dreg:$0x0] =	wrdreg $0x0  }
0xa8: {  	s5 =	sshll.u32 s28, $0x1;
	[dreg:$0x2] =	wrdreg s3  }
0xa9: {  	[dreg:$0x3] =	wrdreg s5  }
0xaa: {  	[dreg:$0x4] =	wrdreg $0xC0  }
0xab: {  	_ =	task [dreg:s7], $0x5FFFF  }
0xac: {  	[dreg:$0x1] =	wrdreg $0xFFFFFFFF  }
0xad: {  	[dreg:$0x0] =	wrdreg $0x60  }
0xae: {  	[dreg:$0x2] =	wrdreg s2  }
0xaf: {  	[dreg:$0x3] =	wrdreg s24  }
0xb0: {  	[dreg:$0x4] =	wrdreg $0x9  }
0xb1: {  	_ =	task.clear_ibuf [dreg:s7], $0x5FFFF;
	_ =	strace $0x90000046  }
0xb2: {  	s29 =	simm.s32 $0x9;
	_ =	strace $0x80000048  }
0xb3: {  	_ =	swait.ge [sflag:s29], $0x1  }
0xb4: {  	[sflag:s29] =	ssyncadd.s32 $0xFFFFFFFF  }
0xb5: {  	_ =	strace $0x90000048  }
0xb6: {  	_ =	sfence  }
0xb7: {  	s30 =	sld [smem:$0x0];
	_ =	sdelay $0x2  }
0xb8: {  	s31 =	sshll.u32 s1, $0xD;
	s1 =	sshrl.u32 s1, $0x2  }
0xb9: {  	s3 =	sand.u32 $0x4000, s31;
	s1 =	sadd.s32 s1, s30  }
0xba: {  	s0 =	sor.u32 s3, s0;
	s1 =	sshll.u32 s1, $0x11  }
0xbb: {  	s0 =	sor.u32 s1, s0  }
0xbc: {  	s0 =	sadd.s32 $0x8F2B, s0  }
0xbd: {  	[sflag:s0] =	ssyncadd.remote.s32 $0x1  }
0xbe: {  	_ =	sfence.sel $0xFFFF  }
0xbf: {  	[dreg:$0x0] =	wrdreg $0xFFFFFFFF;
	(pc) =	sbr.abs _section_cstart, $3  }
0xc0: {  	[dreg:$0x1] =	wrdreg $0xFFFFFFFF  }
0xc1: {  	_ =	task.clear_ibuf [dreg:s7], $0x2FFFF;
	_ =	strace $0x9FFFFFFF  }
0xc2: {  	(tm) =	ssettm $0x7FFFFFFF  }
0xc3: {  	_ =	shalt  }
tec
execute0_lowered:
.L_overlay_start_1:
0x0: {  	(tag) =	ssettag $0x1  }
0x1: {  	s1 =	srdreg.scid;
	s0 =	stileid.u32  }
0x2: {  	s2 =	rddreg [dreg:$0x0];
	s1 =	sand.u32 $0x1, s1;
	s3 =	sshll.u32 s0, $0x1  }
0x3: {  	s5 =	rddreg [dreg:$0x1];
	s4 =	sor.u32 s1, s3;
	s3 =	simm.s32 $0x0  }
0x4: {  	s25 =	simm.s32 $0xA00;
	[smem:$0x7FF] =	sst s3  }
0x5: {  	s26 =	simm.s32 $0x1200;
	_ =	strace $0x80000047;
	[dreg:$0x5] =	wrdreg s25  }
0x6: {  	s0 =	simm.s32 $0x1A00;
	[dreg:$0x6] =	wrdreg s26  }
0x7: {  	s7 =	simm.s32 $0x3200;
	[dreg:$0x7] =	wrdreg s0  }
0x8: {  	s8 =	simm.s32 $0x3A00;
	[dreg:$0xa] =	wrdreg s7  }
0x9: {  	s9 =	simm.s32 $0x4200;
	[dreg:$0xb] =	wrdreg s8  }
0xa: {  	s10 =	simm.s32 $0x4A00;
	[dreg:$0xc] =	wrdreg s9  }
0xb: {  	s11 =	simm.s32 $0x5200;
	[dreg:$0xd] =	wrdreg s10  }
0xc: {  	s12 =	simm.s32 $0x5A00;
	[dreg:$0xe] =	wrdreg s11  }
0xd: {  	s13 =	simm.s32 $0x6200;
	[dreg:$0xf] =	wrdreg s12  }
0xe: {  	s14 =	simm.s32 $0x6A00;
	[dreg:$0x10] =	wrdreg s13  }
0xf: {  	s15 =	simm.s32 $0x7200;
	[dreg:$0x11] =	wrdreg s14  }
0x10: {  	s16 =	simm.s32 $0x7A00;
	s17 =	simm.s32 $0x8200;
	[dreg:$0x12] =	wrdreg s15  }
0x11: {  	s18 =	simm.s32 $0x8A00;
	s19 =	simm.s32 $0x9200;
	[dreg:$0x13] =	wrdreg s16  }
0x12: {  	s20 =	simm.s32 $0x9A00;
	s21 =	simm.s32 $0xA200;
	[dreg:$0x14] =	wrdreg s17  }
0x13: {  	s23 =	simm.s32 $0xAA00;
	s28 =	simm.s32 $0x16A00;
	[dreg:$0x15] =	wrdreg s18  }
0x14: {  	s29 =	simm.s32 $0x17200;
	s30 =	simm.s32 $0x17A00;
	[dreg:$0x16] =	wrdreg s19  }
0x15: {  	s31 =	simm.s32 $0x18200;
	s1 =	ssub.s32 $0x2, s1;
	[dreg:$0x17] =	wrdreg s20  }
0x16: {  	s6 =	smul.u32 $0x31, s4;
	s22 =	sshrl.u32 s1, $0x1;
	[dreg:$0x18] =	wrdreg s21  }
0x17: {  	s4 =	smul.u32 $0x3100, s4;
	s1 =	ssub.s32 s1, s22;
	[dreg:$0x19] =	wrdreg s23  }
0x18: {  	s25 =	simm.s32 $0xBA00;
	s26 =	simm.s32 $0xC200;
	s8 =	simm.s32 $0xD200  }
0x19: {  	s9 =	simm.s32 $0xDA00;
	s10 =	simm.s32 $0xE200;
	s11 =	simm.s32 $0xEA00  }
0x1a: {  	s12 =	simm.s32 $0xF200;
	s13 =	simm.s32 $0xFA00;
	s14 =	simm.s32 $0x10200  }
0x1b: {  	s15 =	simm.s32 $0x10A00;
	s16 =	simm.s32 $0x11200;
	s17 =	simm.s32 $0x11A00  }
0x1c: {  	s18 =	simm.s32 $0x12200;
	s19 =	simm.s32 $0x12A00;
	s20 =	simm.s32 $0x13200  }
0x1d: {  	s21 =	simm.s32 $0x13A00;
	s6 =	sadd.s32 s6, s5;
	[dreg:$0x1b] =	wrdreg s25  }
0x1e: {  	s4 =	sadd.s32 s4, s5;
	s5 =	simm.s32 $0x2200;
	[dreg:$0x1c] =	wrdreg s26  }
0x1f: {  	s22 =	simm.s32 $0x14200;
	s24 =	sadd.s32 $0x64400, s6;
	[dreg:$0x8] =	wrdreg s5  }
0x20: {  	s23 =	simm.s32 $0x14A00;
	s4 =	sadd.s32 $0x64C00, s4;
	[dreg:$0x3] =	wrdreg s24  }
0x21: {  	s25 =	simm.s32 $0x15A00;
	s6 =	simm.s32 $0x2A00;
	[dreg:$0x4] =	wrdreg s4  }
0x22: {  	v2 =	vlaneseq.u32;
	s26 =	simm.s32 $0x16200;
	s5 =	simm.s32 $0x2;
	[dreg:$0x9] =	wrdreg s6  }
0x23: {  	vm0 =	vmmov $0xffff;
	v1 =	vshrl.u32 v2, $0x3;
	s24 =	simm.s32 $0xB200;
	s4 =	smax.u32 s1, $0x1;
	s6 =	simm.s32 $0x200  }
0x24: {  	v0 =	vand.u32 $0x7, v2;
	v2 =	vor.u32 $0x8, v2;
	v1 =	vmul.u32 $0x8, v1;
	s1 =	simm.s32 $0x1;
	[dreg:$0x1a] =	wrdreg s24;
	s24 =	simm.s32 $0x15200  }
.LBB2_1:
0x25: {  	s0 =	rddreg [dreg:$0x3]  }
0x26: {  	[tilespmem:s3], [sflag:$0x2] =	stream.linear.gather [hbm4b:s0+s3], $0x188, $0x38;
	[tilespmem:$0x18A00] =	vst v63  }
0x27: {  	_ =	swait.ge [sflag:s5], $0x188  }
0x28: {  	[sflag:s5] =	ssyncset.done $0x0  }
0x29: {  	[sflag:s5] =	ssyncadd.s32 $0xFFFFFE78  }
0x2a: {  	v3 =	vld [tilespmem:$0x0];
	_ =	sdelay $0x4  }
0x2b: {  	v4 =	vshll.u32 v3, $0x1  }
0x2c: {  	v3 =	vand.u32 $0x7, v3;
	v4 =	vand.u32 $0xFFFFFFF0, v4  }
0x2d: {  	v3 =	vor.u32 v3, v4  }
0x2e: {  	v4 =	vperm.xlane v3, v0;
	_ =	sdelay $0x1  }
0x2f: {  	v3 =	vperm.xlane v3, v2;
	v4 =	vadd.s32 v1, v4;
	_ =	sdelay $0x1  }
0x30: {  	v3 =	vadd.s32 v1, v3;
	_ =	sdelay $0x2  }
0x31: {  	[tilespmem:s6], [sflag:$0x1] =	stream.indirect_vreg.gather [hbm4b:s2+s3], $0x80, v4, vm0, $0xb8;
	[tilespmem:$0x18A00] =	vst v63  }
0x32: {  	s7 =	rddreg [dreg:$0x5]  }
0x33: {  	[tilespmem:s7], [sflag:$0x1] =	stream.indirect_vreg.gather [hbm4b:s2+s3], $0x80, v3, vm0, $0xb8;
	[tilespmem:$0x18A00] =	vst v63  }
0x34: {  	v3 =	vld [tilespmem:$0x10];
	_ =	sdelay $0x4  }
0x35: {  	v40 =	vshll.u32 v3, $0x1  }
0x36: {  	v3 =	vand.u32 $0x7, v3;
	v4 =	vand.u32 $0xFFFFFFF0, v40  }
0x37: {  	v3 =	vor.u32 v3, v4  }
0x38: {  	v4 =	vperm.xlane v3, v0;
	_ =	sdelay $0x1  }
0x39: {  	v3 =	vperm.xlane v3, v2;
	v4 =	vadd.s32 v1, v4;
	_ =	sdelay $0x1  }
0x3a: {  	v3 =	vadd.s32 v1, v3;
	_ =	sdelay $0x1  }
0x3b: {  	s0 =	rddreg [dreg:$0x6]  }
0x3c: {  	[tilespmem:s0], [sflag:$0x1] =	stream.indirect_vreg.gather [hbm4b:s2+s3], $0x80, v4, vm0, $0xb8;
	[tilespmem:$0x18A00] =	vst v63  }
0x3d: {  	s7 =	rddreg [dreg:$0x7]  }
0x3e: {  	[tilespmem:s7], [sflag:$0x1] =	stream.indirect_vreg.gather [hbm4b:s2+s3], $0x80, v3, vm0, $0xb8;
	[tilespmem:$0x18A00] =	vst v63  }
0x3f: {  	v3 =	vld [tilespmem:$0x20];
	_ =	sdelay $0x4  }
0x40: {  	v41 =	vshll.u32 v3, $0x1  }
0x41: {  	v3 =	vand.u32 $0x7, v3;
	v4 =	vand.u32 $0xFFFFFFF0, v41  }
0x42: {  	v3 =	vor.u32 v3, v4  }
0x43: {  	v4 =	vperm.xlane v3, v0;
	_ =	sdelay $0x1  }
0x44: {  	v3 =	vperm.xlane v3, v2;
	v4 =	vadd.s32 v1, v4;
	_ =	sdelay $0x1  }
0x45: {  	v3 =	vadd.s32 v1, v3;
	_ =	sdelay $0x1  }
0x46: {  	s0 =	rddreg [dreg:$0x8]  }
0x47: {  	[tilespmem:s0], [sflag:$0x1] =	stream.indirect_vreg.gather [hbm4b:s2+s3], $0x80, v4, vm0, $0xb8;
	[tilespmem:$0x18A00] =	vst v63  }
0x48: {  	s7 =	rddreg [dreg:$0x9]  }
0x49: {  	[tilespmem:s7], [sflag:$0x1] =	stream.indirect_vreg.gather [hbm4b:s2+s3], $0x80, v3, vm0, $0xb8;
	[tilespmem:$0x18A00] =	vst v63  }
0x4a: {  	v3 =	vld [tilespmem:$0x30];
	_ =	sdelay $0x4  }
0x4b: {  	v42 =	vshll.u32 v3, $0x1  }
0x4c: {  	v3 =	vand.u32 $0x7, v3;
	v4 =	vand.u32 $0xFFFFFFF0, v42  }
0x4d: {  	v3 =	vor.u32 v3, v4  }
0x4e: {  	v4 =	vperm.xlane v3, v0;
	_ =	sdelay $0x1  }
0x4f: {  	v3 =	vperm.xlane v3, v2;
	v4 =	vadd.s32 v1, v4;
	_ =	sdelay $0x1  }
0x50: {  	v3 =	vadd.s32 v1, v3;
	_ =	sdelay $0x1  }
0x51: {  	s0 =	rddreg [dreg:$0xa]  }
0x52: {  	[tilespmem:s0], [sflag:$0x1] =	stream.indirect_vreg.gather [hbm4b:s2+s3], $0x80, v4, vm0, $0xb8;
	[tilespmem:$0x18A00] =	vst v63  }
0x53: {  	s7 =	rddreg [dreg:$0xb]  }
0x54: {  	[tilespmem:s7], [sflag:$0x1] =	stream.indirect_vreg.gather [hbm4b:s2+s3], $0x80, v3, vm0, $0xb8;
	[tilespmem:$0x18A00] =	vst v63  }
0x55: {  	v3 =	vld [tilespmem:$0x40];
	_ =	sdelay $0x4  }
0x56: {  	v43 =	vshll.u32 v3, $0x1  }
0x57: {  	v3 =	vand.u32 $0x7, v3;
	v4 =	vand.u32 $0xFFFFFFF0, v43  }
0x58: {  	v3 =	vor.u32 v3, v4  }
0x59: {  	v4 =	vperm.xlane v3, v0;
	_ =	sdelay $0x1  }
0x5a: {  	v3 =	vperm.xlane v3, v2;
	v4 =	vadd.s32 v1, v4;
	_ =	sdelay $0x1  }
0x5b: {  	v3 =	vadd.s32 v1, v3;
	_ =	sdelay $0x1  }
0x5c: {  	s0 =	rddreg [dreg:$0xc]  }
0x5d: {  	[tilespmem:s0], [sflag:$0x1] =	stream.indirect_vreg.gather [hbm4b:s2+s3], $0x80, v4, vm0, $0xb8;
	[tilespmem:$0x18A00] =	vst v63  }
0x5e: {  	s7 =	rddreg [dreg:$0xd]  }
0x5f: {  	[tilespmem:s7], [sflag:$0x1] =	stream.indirect_vreg.gather [hbm4b:s2+s3], $0x80, v3, vm0, $0xb8;
	[tilespmem:$0x18A00] =	vst v63  }
0x60: {  	v3 =	vld [tilespmem:$0x50];
	_ =	sdelay $0x4  }
0x61: {  	v44 =	vshll.u32 v3, $0x1  }
0x62: {  	v3 =	vand.u32 $0x7, v3;
	v4 =	vand.u32 $0xFFFFFFF0, v44  }
0x63: {  	v3 =	vor.u32 v3, v4  }
0x64: {  	v4 =	vperm.xlane v3, v0;
	_ =	sdelay $0x1  }
0x65: {  	v3 =	vperm.xlane v3, v2;
	v4 =	vadd.s32 v1, v4;
	_ =	sdelay $0x1  }
0x66: {  	v3 =	vadd.s32 v1, v3;
	_ =	sdelay $0x1  }
0x67: {  	s0 =	rddreg [dreg:$0xe]  }
0x68: {  	[tilespmem:s0], [sflag:$0x1] =	stream.indirect_vreg.gather [hbm4b:s2+s3], $0x80, v4, vm0, $0xb8;
	[tilespmem:$0x18A00] =	vst v63  }
0x69: {  	s7 =	rddreg [dreg:$0xf]  }
0x6a: {  	[tilespmem:s7], [sflag:$0x1] =	stream.indirect_vreg.gather [hbm4b:s2+s3], $0x80, v3, vm0, $0xb8;
	[tilespmem:$0x18A00] =	vst v63  }
0x6b: {  	v3 =	vld [tilespmem:$0x60];
	_ =	sdelay $0x4  }
0x6c: {  	v45 =	vshll.u32 v3, $0x1  }
0x6d: {  	v3 =	vand.u32 $0x7, v3;
	v4 =	vand.u32 $0xFFFFFFF0, v45  }
0x6e: {  	v3 =	vor.u32 v3, v4  }
0x6f: {  	v4 =	vperm.xlane v3, v0;
	_ =	sdelay $0x1  }
0x70: {  	v3 =	vperm.xlane v3, v2;
	v4 =	vadd.s32 v1, v4;
	_ =	sdelay $0x1  }
0x71: {  	v3 =	vadd.s32 v1, v3;
	_ =	sdelay $0x1  }
0x72: {  	s0 =	rddreg [dreg:$0x10]  }
0x73: {  	[tilespmem:s0], [sflag:$0x1] =	stream.indirect_vreg.gather [hbm4b:s2+s3], $0x80, v4, vm0, $0xb8;
	[tilespmem:$0x18A00] =	vst v63  }
0x74: {  	s7 =	rddreg [dreg:$0x11]  }
0x75: {  	[tilespmem:s7], [sflag:$0x1] =	stream.indirect_vreg.gather [hbm4b:s2+s3], $0x80, v3, vm0, $0xb8;
	[tilespmem:$0x18A00] =	vst v63  }
0x76: {  	v3 =	vld [tilespmem:$0x70];
	_ =	sdelay $0x4  }
0x77: {  	v46 =	vshll.u32 v3, $0x1  }
0x78: {  	v3 =	vand.u32 $0x7, v3;
	v4 =	vand.u32 $0xFFFFFFF0, v46  }
0x79: {  	v3 =	vor.u32 v3, v4  }
0x7a: {  	v4 =	vperm.xlane v3, v0;
	_ =	sdelay $0x1  }
0x7b: {  	v3 =	vperm.xlane v3, v2;
	v4 =	vadd.s32 v1, v4;
	_ =	sdelay $0x1  }
0x7c: {  	v3 =	vadd.s32 v1, v3;
	_ =	sdelay $0x1  }
0x7d: {  	s0 =	rddreg [dreg:$0x12]  }
0x7e: {  	[tilespmem:s0], [sflag:$0x1] =	stream.indirect_vreg.gather [hbm4b:s2+s3], $0x80, v4, vm0, $0xb8;
	[tilespmem:$0x18A00] =	vst v63  }
0x7f: {  	s7 =	rddreg [dreg:$0x13]  }
0x80: {  	[tilespmem:s7], [sflag:$0x1] =	stream.indirect_vreg.gather [hbm4b:s2+s3], $0x80, v3, vm0, $0xb8;
	[tilespmem:$0x18A00] =	vst v63  }
0x81: {  	v3 =	vld [tilespmem:$0x80];
	_ =	sdelay $0x4  }
0x82: {  	v47 =	vshll.u32 v3, $0x1  }
0x83: {  	v3 =	vand.u32 $0x7, v3;
	v4 =	vand.u32 $0xFFFFFFF0, v47  }
0x84: {  	v3 =	vor.u32 v3, v4  }
0x85: {  	v4 =	vperm.xlane v3, v0;
	_ =	sdelay $0x1  }
0x86: {  	v3 =	vperm.xlane v3, v2;
	v4 =	vadd.s32 v1, v4;
	_ =	sdelay $0x1  }
0x87: {  	v3 =	vadd.s32 v1, v3;
	_ =	sdelay $0x1  }
0x88: {  	s0 =	rddreg [dreg:$0x14]  }
0x89: {  	[tilespmem:s0], [sflag:$0x1] =	stream.indirect_vreg.gather [hbm4b:s2+s3], $0x80, v4, vm0, $0xb8;
	[tilespmem:$0x18A00] =	vst v63  }
0x8a: {  	s7 =	rddreg [dreg:$0x15]  }
0x8b: {  	[tilespmem:s7], [sflag:$0x1] =	stream.indirect_vreg.gather [hbm4b:s2+s3], $0x80, v3, vm0, $0xb8;
	[tilespmem:$0x18A00] =	vst v63  }
0x8c: {  	v3 =	vld [tilespmem:$0x90];
	_ =	sdelay $0x4  }
0x8d: {  	v48 =	vshll.u32 v3, $0x1  }
0x8e: {  	v3 =	vand.u32 $0x7, v3;
	v4 =	vand.u32 $0xFFFFFFF0, v48  }
0x8f: {  	v3 =	vor.u32 v3, v4  }
0x90: {  	v4 =	vperm.xlane v3, v0;
	_ =	sdelay $0x1  }
0x91: {  	v3 =	vperm.xlane v3, v2;
	v4 =	vadd.s32 v1, v4;
	_ =	sdelay $0x1  }
0x92: {  	v3 =	vadd.s32 v1, v3;
	_ =	sdelay $0x1  }
0x93: {  	s0 =	rddreg [dreg:$0x16]  }
0x94: {  	[tilespmem:s0], [sflag:$0x1] =	stream.indirect_vreg.gather [hbm4b:s2+s3], $0x80, v4, vm0, $0xb8;
	[tilespmem:$0x18A00] =	vst v63  }
0x95: {  	s7 =	rddreg [dreg:$0x17]  }
0x96: {  	[tilespmem:s7], [sflag:$0x1] =	stream.indirect_vreg.gather [hbm4b:s2+s3], $0x80, v3, vm0, $0xb8;
	[tilespmem:$0x18A00] =	vst v63  }
0x97: {  	v3 =	vld [tilespmem:$0xA0];
	_ =	sdelay $0x4  }
0x98: {  	v49 =	vshll.u32 v3, $0x1  }
0x99: {  	v3 =	vand.u32 $0x7, v3;
	v4 =	vand.u32 $0xFFFFFFF0, v49  }
0x9a: {  	v3 =	vor.u32 v3, v4  }
0x9b: {  	v4 =	vperm.xlane v3, v0;
	_ =	sdelay $0x1  }
0x9c: {  	v3 =	vperm.xlane v3, v2;
	v4 =	vadd.s32 v1, v4;
	_ =	sdelay $0x1  }
0x9d: {  	v3 =	vadd.s32 v1, v3;
	_ =	sdelay $0x1  }
0x9e: {  	s0 =	rddreg [dreg:$0x18]  }
0x9f: {  	[tilespmem:s0], [sflag:$0x1] =	stream.indirect_vreg.gather [hbm4b:s2+s3], $0x80, v4, vm0, $0xb8;
	[tilespmem:$0x18A00] =	vst v63  }
0xa0: {  	s7 =	rddreg [dreg:$0x19]  }
0xa1: {  	[tilespmem:s7], [sflag:$0x1] =	stream.indirect_vreg.gather [hbm4b:s2+s3], $0x80, v3, vm0, $0xb8;
	[tilespmem:$0x18A00] =	vst v63  }
0xa2: {  	v3 =	vld [tilespmem:$0xB0];
	_ =	sdelay $0x4  }
0xa3: {  	v50 =	vshll.u32 v3, $0x1  }
0xa4: {  	v3 =	vand.u32 $0x7, v3;
	v4 =	vand.u32 $0xFFFFFFF0, v50  }
0xa5: {  	v3 =	vor.u32 v3, v4  }
0xa6: {  	v4 =	vperm.xlane v3, v0;
	_ =	sdelay $0x1  }
0xa7: {  	v3 =	vperm.xlane v3, v2;
	v4 =	vadd.s32 v1, v4;
	_ =	sdelay $0x1  }
0xa8: {  	v3 =	vadd.s32 v1, v3;
	_ =	sdelay $0x1  }
0xa9: {  	s0 =	rddreg [dreg:$0x1a]  }
0xaa: {  	[tilespmem:s0], [sflag:$0x1] =	stream.indirect_vreg.gather [hbm4b:s2+s3], $0x80, v4, vm0, $0xb8;
	[tilespmem:$0x18A00] =	vst v63  }
0xab: {  	s7 =	rddreg [dreg:$0x1b]  }
0xac: {  	[tilespmem:s7], [sflag:$0x1] =	stream.indirect_vreg.gather [hbm4b:s2+s3], $0x80, v3, vm0, $0xb8;
	[tilespmem:$0x18A00] =	vst v63  }
0xad: {  	v3 =	vld [tilespmem:$0xC0];
	_ =	sdelay $0x4  }
0xae: {  	v51 =	vshll.u32 v3, $0x1  }
0xaf: {  	v3 =	vand.u32 $0x7, v3;
	v4 =	vand.u32 $0xFFFFFFF0, v51  }
0xb0: {  	v3 =	vor.u32 v3, v4  }
0xb1: {  	v4 =	vperm.xlane v3, v0;
	_ =	sdelay $0x1  }
0xb2: {  	v3 =	vperm.xlane v3, v2;
	v4 =	vadd.s32 v1, v4;
	_ =	sdelay $0x1  }
0xb3: {  	v3 =	vadd.s32 v1, v3;
	_ =	sdelay $0x1  }
0xb4: {  	s7 =	rddreg [dreg:$0x1c]  }
0xb5: {  	[tilespmem:s7], [sflag:$0x1] =	stream.indirect_vreg.gather [hbm4b:s2+s3], $0x80, v4, vm0, $0xb8;
	[tilespmem:$0x18A00] =	vst v63  }
0xb6: {  	s7 =	simm.s32 $0xCA00  }
0xb7: {  	[tilespmem:s7], [sflag:$0x1] =	stream.indirect_vreg.gather [hbm4b:s2+s3], $0x80, v3, vm0, $0xb8;
	[tilespmem:$0x18A00] =	vst v63  }
0xb8: {  	v3 =	vld [tilespmem:$0xD0];
	_ =	sdelay $0x4  }
0xb9: {  	v52 =	vshll.u32 v3, $0x1  }
0xba: {  	v3 =	vand.u32 $0x7, v3;
	v4 =	vand.u32 $0xFFFFFFF0, v52  }
0xbb: {  	v3 =	vor.u32 v3, v4  }
0xbc: {  	v4 =	vperm.xlane v3, v0;
	_ =	sdelay $0x1  }
0xbd: {  	v3 =	vperm.xlane v3, v2;
	v4 =	vadd.s32 v1, v4;
	_ =	sdelay $0x1  }
0xbe: {  	v3 =	vadd.s32 v1, v3;
	_ =	sdelay $0x2  }
0xbf: {  	[tilespmem:s8], [sflag:$0x1] =	stream.indirect_vreg.gather [hbm4b:s2+s3], $0x80, v4, vm0, $0xb8;
	[tilespmem:$0x18A00] =	vst v63  }
0xc0: {  	_ = 	snop  }
0xc1: {  	[tilespmem:s9], [sflag:$0x1] =	stream.indirect_vreg.gather [hbm4b:s2+s3], $0x80, v3, vm0, $0xb8;
	[tilespmem:$0x18A00] =	vst v63  }
0xc2: {  	v3 =	vld [tilespmem:$0xE0];
	_ =	sdelay $0x4  }
0xc3: {  	v53 =	vshll.u32 v3, $0x1  }
0xc4: {  	v3 =	vand.u32 $0x7, v3;
	v4 =	vand.u32 $0xFFFFFFF0, v53  }
0xc5: {  	v3 =	vor.u32 v3, v4  }
0xc6: {  	v4 =	vperm.xlane v3, v0;
	_ =	sdelay $0x1  }
0xc7: {  	v3 =	vperm.xlane v3, v2;
	v4 =	vadd.s32 v1, v4;
	_ =	sdelay $0x1  }
0xc8: {  	v3 =	vadd.s32 v1, v3;
	_ =	sdelay $0x2  }
0xc9: {  	[tilespmem:s10], [sflag:$0x1] =	stream.indirect_vreg.gather [hbm4b:s2+s3], $0x80, v4, vm0, $0xb8;
	[tilespmem:$0x18A00] =	vst v63  }
0xca: {  	_ = 	snop  }
0xcb: {  	[tilespmem:s11], [sflag:$0x1] =	stream.indirect_vreg.gather [hbm4b:s2+s3], $0x80, v3, vm0, $0xb8;
	[tilespmem:$0x18A00] =	vst v63  }
0xcc: {  	v3 =	vld [tilespmem:$0xF0];
	_ =	sdelay $0x4  }
0xcd: {  	v54 =	vshll.u32 v3, $0x1  }
0xce: {  	v3 =	vand.u32 $0x7, v3;
	v4 =	vand.u32 $0xFFFFFFF0, v54  }
0xcf: {  	v3 =	vor.u32 v3, v4  }
0xd0: {  	v4 =	vperm.xlane v3, v0;
	_ =	sdelay $0x1  }
0xd1: {  	v3 =	vperm.xlane v3, v2;
	v4 =	vadd.s32 v1, v4;
	_ =	sdelay $0x1  }
0xd2: {  	v3 =	vadd.s32 v1, v3;
	_ =	sdelay $0x2  }
0xd3: {  	[tilespmem:s12], [sflag:$0x1] =	stream.indirect_vreg.gather [hbm4b:s2+s3], $0x80, v4, vm0, $0xb8;
	[tilespmem:$0x18A00] =	vst v63  }
0xd4: {  	_ = 	snop  }
0xd5: {  	[tilespmem:s13], [sflag:$0x1] =	stream.indirect_vreg.gather [hbm4b:s2+s3], $0x80, v3, vm0, $0xb8;
	[tilespmem:$0x18A00] =	vst v63  }
0xd6: {  	v3 =	vld [tilespmem:$0x100];
	_ =	sdelay $0x4  }
0xd7: {  	v55 =	vshll.u32 v3, $0x1  }
0xd8: {  	v3 =	vand.u32 $0x7, v3;
	v4 =	vand.u32 $0xFFFFFFF0, v55  }
0xd9: {  	v3 =	vor.u32 v3, v4  }
0xda: {  	v4 =	vperm.xlane v3, v0;
	_ =	sdelay $0x1  }
0xdb: {  	v3 =	vperm.xlane v3, v2;
	v4 =	vadd.s32 v1, v4;
	_ =	sdelay $0x1  }
0xdc: {  	v3 =	vadd.s32 v1, v3;
	_ =	sdelay $0x2  }
0xdd: {  	[tilespmem:s14], [sflag:$0x1] =	stream.indirect_vreg.gather [hbm4b:s2+s3], $0x80, v4, vm0, $0xb8;
	[tilespmem:$0x18A00] =	vst v63  }
0xde: {  	_ = 	snop  }
0xdf: {  	[tilespmem:s15], [sflag:$0x1] =	stream.indirect_vreg.gather [hbm4b:s2+s3], $0x80, v3, vm0, $0xb8;
	[tilespmem:$0x18A00] =	vst v63  }
0xe0: {  	v3 =	vld [tilespmem:$0x110];
	_ =	sdelay $0x4  }
0xe1: {  	v56 =	vshll.u32 v3, $0x1  }
0xe2: {  	v3 =	vand.u32 $0x7, v3;
	v4 =	vand.u32 $0xFFFFFFF0, v56  }
0xe3: {  	v3 =	vor.u32 v3, v4  }
0xe4: {  	v4 =	vperm.xlane v3, v0;
	_ =	sdelay $0x1  }
0xe5: {  	v3 =	vperm.xlane v3, v2;
	v4 =	vadd.s32 v1, v4;
	_ =	sdelay $0x1  }
0xe6: {  	v3 =	vadd.s32 v1, v3;
	_ =	sdelay $0x2  }
0xe7: {  	[tilespmem:s16], [sflag:$0x1] =	stream.indirect_vreg.gather [hbm4b:s2+s3], $0x80, v4, vm0, $0xb8;
	[tilespmem:$0x18A00] =	vst v63  }
0xe8: {  	_ = 	snop  }
0xe9: {  	[tilespmem:s17], [sflag:$0x1] =	stream.indirect_vreg.gather [hbm4b:s2+s3], $0x80, v3, vm0, $0xb8;
	[tilespmem:$0x18A00] =	vst v63  }
0xea: {  	v3 =	vld [tilespmem:$0x120];
	_ =	sdelay $0x4  }
0xeb: {  	v57 =	vshll.u32 v3, $0x1  }
0xec: {  	v3 =	vand.u32 $0x7, v3;
	v4 =	vand.u32 $0xFFFFFFF0, v57  }
0xed: {  	v3 =	vor.u32 v3, v4  }
0xee: {  	v4 =	vperm.xlane v3, v0;
	_ =	sdelay $0x1  }
0xef: {  	v3 =	vperm.xlane v3, v2;
	v4 =	vadd.s32 v1, v4;
	_ =	sdelay $0x1  }
0xf0: {  	v3 =	vadd.s32 v1, v3;
	_ =	sdelay $0x2  }
0xf1: {  	[tilespmem:s18], [sflag:$0x1] =	stream.indirect_vreg.gather [hbm4b:s2+s3], $0x80, v4, vm0, $0xb8;
	[tilespmem:$0x18A00] =	vst v63  }
0xf2: {  	_ = 	snop  }
0xf3: {  	[tilespmem:s19], [sflag:$0x1] =	stream.indirect_vreg.gather [hbm4b:s2+s3], $0x80, v3, vm0, $0xb8;
	[tilespmem:$0x18A00] =	vst v63  }
0xf4: {  	v3 =	vld [tilespmem:$0x130];
	_ =	sdelay $0x4  }
0xf5: {  	v58 =	vshll.u32 v3, $0x1  }
0xf6: {  	v3 =	vand.u32 $0x7, v3;
	v4 =	vand.u32 $0xFFFFFFF0, v58  }
0xf7: {  	v3 =	vor.u32 v3, v4  }
0xf8: {  	v4 =	vperm.xlane v3, v0;
	_ =	sdelay $0x1  }
0xf9: {  	v3 =	vperm.xlane v3, v2;
	v4 =	vadd.s32 v1, v4;
	_ =	sdelay $0x1  }
0xfa: {  	v3 =	vadd.s32 v1, v3;
	_ =	sdelay $0x2  }
0xfb: {  	[tilespmem:s20], [sflag:$0x1] =	stream.indirect_vreg.gather [hbm4b:s2+s3], $0x80, v4, vm0, $0xb8;
	[tilespmem:$0x18A00] =	vst v63  }
0xfc: {  	_ = 	snop  }
0xfd: {  	[tilespmem:s21], [sflag:$0x1] =	stream.indirect_vreg.gather [hbm4b:s2+s3], $0x80, v3, vm0, $0xb8;
	[tilespmem:$0x18A00] =	vst v63  }
0xfe: {  	v3 =	vld [tilespmem:$0x140];
	_ =	sdelay $0x4  }
0xff: {  	v59 =	vshll.u32 v3, $0x1  }
0x100: {  	v3 =	vand.u32 $0x7, v3;
	v4 =	vand.u32 $0xFFFFFFF0, v59  }
0x101: {  	v3 =	vor.u32 v3, v4  }
0x102: {  	v4 =	vperm.xlane v3, v0;
	_ =	sdelay $0x1  }
0x103: {  	v3 =	vperm.xlane v3, v2;
	v4 =	vadd.s32 v1, v4;
	_ =	sdelay $0x1  }
0x104: {  	v3 =	vadd.s32 v1, v3;
	_ =	sdelay $0x2  }
0x105: {  	[tilespmem:s22], [sflag:$0x1] =	stream.indirect_vreg.gather [hbm4b:s2+s3], $0x80, v4, vm0, $0xb8;
	[tilespmem:$0x18A00] =	vst v63  }
0x106: {  	_ = 	snop  }
0x107: {  	[tilespmem:s23], [sflag:$0x1] =	stream.indirect_vreg.gather [hbm4b:s2+s3], $0x80, v3, vm0, $0xb8;
	[tilespmem:$0x18A00] =	vst v63  }
0x108: {  	v3 =	vld [tilespmem:$0x150];
	_ =	sdelay $0x4  }
0x109: {  	v60 =	vshll.u32 v3, $0x1  }
0x10a: {  	v3 =	vand.u32 $0x7, v3;
	v4 =	vand.u32 $0xFFFFFFF0, v60  }
0x10b: {  	v3 =	vor.u32 v3, v4  }
0x10c: {  	v4 =	vperm.xlane v3, v0;
	_ =	sdelay $0x1  }
0x10d: {  	v3 =	vperm.xlane v3, v2;
	v4 =	vadd.s32 v1, v4;
	_ =	sdelay $0x1  }
0x10e: {  	v3 =	vadd.s32 v1, v3;
	_ =	sdelay $0x2  }
0x10f: {  	[tilespmem:s24], [sflag:$0x1] =	stream.indirect_vreg.gather [hbm4b:s2+s3], $0x80, v4, vm0, $0xb8;
	[tilespmem:$0x18A00] =	vst v63  }
0x110: {  	_ = 	snop  }
0x111: {  	[tilespmem:s25], [sflag:$0x1] =	stream.indirect_vreg.gather [hbm4b:s2+s3], $0x80, v3, vm0, $0xb8;
	[tilespmem:$0x18A00] =	vst v63  }
0x112: {  	v3 =	vld [tilespmem:$0x160];
	_ =	sdelay $0x4  }
0x113: {  	v61 =	vshll.u32 v3, $0x1  }
0x114: {  	v3 =	vand.u32 $0x7, v3;
	v4 =	vand.u32 $0xFFFFFFF0, v61  }
0x115: {  	v3 =	vor.u32 v3, v4  }
0x116: {  	v4 =	vperm.xlane v3, v0;
	_ =	sdelay $0x1  }
0x117: {  	v3 =	vperm.xlane v3, v2;
	v4 =	vadd.s32 v1, v4;
	_ =	sdelay $0x1  }
0x118: {  	v3 =	vadd.s32 v1, v3;
	_ =	sdelay $0x2  }
0x119: {  	[tilespmem:s26], [sflag:$0x1] =	stream.indirect_vreg.gather [hbm4b:s2+s3], $0x80, v4, vm0, $0xb8;
	[tilespmem:$0x18A00] =	vst v63  }
0x11a: {  	_ = 	snop  }
0x11b: {  	[tilespmem:s28], [sflag:$0x1] =	stream.indirect_vreg.gather [hbm4b:s2+s3], $0x80, v3, vm0, $0xb8;
	[tilespmem:$0x18A00] =	vst v63  }
0x11c: {  	v3 =	vld [tilespmem:$0x170];
	_ =	sdelay $0x4  }
0x11d: {  	v62 =	vshll.u32 v3, $0x1  }
0x11e: {  	v3 =	vand.u32 $0x7, v3;
	v4 =	vand.u32 $0xFFFFFFF0, v62  }
0x11f: {  	v3 =	vor.u32 v3, v4  }
0x120: {  	v4 =	vperm.xlane v3, v0;
	_ =	sdelay $0x1  }
0x121: {  	v3 =	vperm.xlane v3, v2;
	v4 =	vadd.s32 v1, v4;
	_ =	sdelay $0x1  }
0x122: {  	v3 =	vadd.s32 v1, v3;
	_ =	sdelay $0x2  }
0x123: {  	[tilespmem:s29], [sflag:$0x1] =	stream.indirect_vreg.gather [hbm4b:s2+s3], $0x80, v4, vm0, $0xb8;
	[tilespmem:$0x18A00] =	vst v63  }
0x124: {  	_ = 	snop  }
0x125: {  	[tilespmem:s30], [sflag:$0x1] =	stream.indirect_vreg.gather [hbm4b:s2+s3], $0x80, v3, vm0, $0xb8;
	[tilespmem:$0x18A00] =	vst v63  }
0x126: {  	v3 =	vld.msk [tilespmem:$0x180], $0xff;
	_ =	sdelay $0x4  }
0x127: {  	v63 =	vshll.u32 v3, $0x1  }
0x128: {  	v3 =	vand.u32 $0x7, v3;
	v4 =	vand.u32 $0xFFFFFFF0, v63  }
0x129: {  	v3 =	vor.u32 v3, v4  }
0x12a: {  	v3 =	vperm.xlane v3, v0;
	_ =	sdelay $0x1  }
0x12b: {  	v3 =	vadd.s32 v1, v3;
	_ =	sdelay $0x4  }
0x12c: {  	[tilespmem:s31], [sflag:$0x1] =	stream.indirect_vreg.gather [hbm4b:s2+s3], $0x80, v3, vm0, $0xb8;
	[tilespmem:$0x18A00] =	vst v63  }
0x12d: {  	_ =	swait.ge [sflag:s1], $0x18800  }
0x12e: {  	p0 =	sne.s32 s4, $0x1;
	[sflag:s1] =	ssyncset.done $0x0  }
.Ltmp0:
0x12f: {  	s7 =	rddreg [dreg:$0x4];
	[sflag:s1] =	ssyncadd.s32 $0xFFFE7800;
	(pc) =	sbr.rel @p0 .LBB2_1-.Ltmp0, $4  }
0x130: {  	[hbm4b:s7+s3] =	stream.linear.scatter [tilespmem:s6], [sflag:$0x2], $0x18800, $0x38;
	[tilespmem:$0x18A00] =	vst v63  }
0x131: {  	_ =	swait.ge [sflag:s5], $0x18800  }
0x132: {  	[sflag:s5] =	ssyncset.done $0x0  }
0x133: {  	s4 =	sadd.s32 $0xFFFFFFFF, s4;
	[sflag:s5] =	ssyncadd.s32 $0xFFFE7800  }
0x134: {  	_ =	sfence.sel $0x180000  }
0x135: {  	[bflag:$0x0] =	sbarrier.arrive $0xFFFF  }
0x136: {  	_ =	strace $0x90000047  }
0x137: {  	s0 =	stileid.u32;
	[bflag:$0x2] =	sbarrier.arrive $0xFFFF  }
0x138: {  	p0 =	sne.s32 s0, $0x0;
	s0 =	rddreg [dreg:$0x2]  }
0x139: {  	s0 =	sadd.s32 @!p0 $0x100000, s0  }
0x13a: {  	[sflag:s0] =	ssyncadd.tile.s32 @!p0 $0x1;
	_ =	shalt  }
.Lfunc_end2:
_tile_overlayer_lowered:
.L_overlay_start_2:
0x13b: {  	(tag) =	ssettag $0x2  }
0x13c: {  	s0 =	rddreg [dreg:$0x0];
	s2 =	stileid.u32  }
0x13d: {  	s1 =	rddreg [dreg:$0x1];
	p0 =	sne.s32 s2, $0x0  }
0x13e: {  	s3 =	rddreg [dreg:$0x2];
	[bflag:$0x3] =	sbarrier.arrive $0xFFFF;
	s2 =	simm.s32 @!p0 $0x1C02  }
0x13f: {  	[timem:s3], [sflag:s2] =	dma.local @!p0 [hbm:s0], s1  }
0x140: {  	s0 =	simm.s32 @!p0 $0x2  }
0x141: {  	_ =	swait.ge @!p0 [sflag:s0], s1  }
0x142: {  	s1 =	ssub.s32 @!p0 $0x0, s1;
	[sflag:s0] =	ssyncset.done @!p0 $0x0  }
0x143: {  	[sflag:s0] =	ssyncadd.s32 @!p0 s1  }
0x144: {  	[bflag:$0x3] =	sbarrier.arrive $0xFFFF  }
0x145: {  	_ =	shalt  }

</sc_bundles>
